<compile_context>
chip_gen: v7x
topology: tpu7x:2x2x1
jax: 0.10.2.dev20260603
libtpu: 0.0.44.dev20260713+nightly
codegen_flags: <defaults>
</compile_context>

<pallas_src>
import functools

import jax
import jax.numpy as jnp
from jax import lax
from jax.experimental import pallas as pl
from jax.experimental.pallas import tpu as pltpu
from jax.experimental.pallas import tpu_sc as plsc

_L = 6
_DIM = 16
_J = 2 ** _L - 1
_NB = 64
_LANES = 16
_NWORKERS = 32


def _build_tables(shapes, scales):
    sp_shapes = jnp.log1p(jnp.exp(shapes))
    sp_scales = jnp.log1p(jnp.exp(scales))
    skey = jax.random.key(42)
    samples = jax.random.beta(skey, sp_shapes, sp_scales)

    lowers = [None] * _J
    uppers = [None] * _J
    lowers[0] = jnp.zeros((_DIM,), dtype=samples.dtype)
    uppers[0] = jnp.ones((_DIM,), dtype=samples.dtype)
    for node in range(1, _J):
        p = (node - 1) // 2
        beta = samples[:, p]
        length = uppers[p] - lowers[p]
        if node % 2 == 1:
            lowers[node] = lowers[p]
            uppers[node] = lowers[p] + beta * length
        else:
            lowers[node] = lowers[p] + beta * length
            uppers[node] = lowers[p] + beta * length + (1.0 - beta) * length
    lowers_m = jnp.stack(lowers, axis=1)
    uppers_m = jnp.stack(uppers, axis=1)
    B = uppers_m - lowers_m

    U = jnp.sort(
        jnp.concatenate(
            [uppers_m[:, 1:], jnp.full((_DIM, 2), 2.0, dtype=uppers_m.dtype)],
            axis=1,
        ),
        axis=1,
    )

    reps = jnp.concatenate(
        [
            U[:, :62],
            jnp.ones((_DIM, 1), dtype=U.dtype),
            jnp.full((_DIM, 1), 2.0, dtype=U.dtype),
        ],
        axis=1,
    )

    xe = reps[:, :, None]
    mask = (xe > lowers_m[:, None, :]) & (xe <= uppers_m[:, None, :])
    idx_levels = []
    for l in range(_L):
        s = 2 ** l - 1
        e = 2 ** (l + 1) - 1
        off = jnp.argmax(mask[:, :, s:e], axis=-1)
        idx_levels.append(off + s)
    idx = jnp.stack(idx_levels, axis=-1)
    d_idx = jnp.arange(_DIM)[:, None, None]
    Y = jnp.prod(samples[d_idx, idx], axis=-1)
    log_B = jnp.log(B[jnp.arange(_DIM)[:, None], idx[:, :, -1]])
    V = jnp.log(Y) - log_B
    return U, V


def _make_sc_search(n):
    chunk = n // _NWORKERS
    groups = chunk // _LANES
    mesh = plsc.VectorSubcoreMesh(core_axis_name="c", subcore_axis_name="s")

    @functools.partial(
        pl.kernel,
        mesh=mesh,
        out_type=jax.ShapeDtypeStruct((n,), jnp.float32),
        compiler_params=pltpu.CompilerParams(needs_layout_passes=False),
        scratch_types=[
            pltpu.VMEM((_DIM, chunk), jnp.float32),
            pltpu.VMEM((_DIM * _NB,), jnp.float32),
            pltpu.VMEM((_DIM * _NB,), jnp.float32),
            pltpu.VMEM((chunk,), jnp.float32),
        ],
    )
    def sc_search(xt_hbm, u_hbm, v_hbm, out_hbm, x_v, u_v, v_v, o_v):
        wid = lax.axis_index("s") * 2 + lax.axis_index("c")
        base = wid * chunk
        pltpu.sync_copy(u_hbm, u_v)
        pltpu.sync_copy(v_hbm, v_v)
        pltpu.sync_copy(xt_hbm.at[:, pl.ds(base, chunk)], x_v)

        def body(g, carry):
            gbase = g * _LANES
            acc = jnp.zeros((_LANES,), jnp.float32)
            for d in range(_DIM):
                xv = x_v[d, pl.ds(gbase, _LANES)]
                pos = jnp.zeros((_LANES,), jnp.int32)
                for step in (32, 16, 8, 4, 2, 1):
                    uval = plsc.load_gather(u_v, [pos + (d * _NB + step - 1)])
                    pos = jnp.where(uval < xv, pos + step, pos)
                acc = acc + plsc.load_gather(v_v, [pos + (d * _NB)])
            o_v[pl.ds(gbase, _LANES)] = acc * (1.0 / _DIM)
            return carry

        lax.fori_loop(0, groups, body, 0)
        pltpu.sync_copy(o_v, out_hbm.at[pl.ds(base, chunk)])

    return sc_search


def kernel(x, shapes, scales):
    n = x.shape[0]
    U, V = _build_tables(shapes, scales)
    xt = x.T
    return _make_sc_search(n)(
        xt.astype(jnp.float32),
        U.reshape(-1).astype(jnp.float32),
        V.reshape(-1).astype(jnp.float32),
    )

# --- scband reference (transcript-rebuilt; emitter-appended) ---
"""Pipeline reference for scband-polya-tree-64132451664657 (READ-ONLY COPY).

The authoritative reference and input builder live on the scoring server;
editing this copy changes nothing except your own understanding.
"""

import jax, jax.numpy as jnp
import numpy as np

L = 6
DIM = 16
N = 32768
J = 2 ** L - 1  # 63 tree nodes


def setup_inputs(seed: int = 0) -> dict:
    key = jax.random.key(seed)
    k1, _ = jax.random.split(key)
    x = jax.random.uniform(k1, (N, DIM), dtype=jnp.float32)
    # learned parameters (torch init: ones(dim, 2**L - 1))
    shapes = jnp.ones((DIM, J), dtype=jnp.float32)
    scales = jnp.ones((DIM, J), dtype=jnp.float32)
    return {"x": x, "shapes": shapes, "scales": scales}


def _forward(x, shapes, scales):
    # log1p_exp (softplus) on raw params
    sp_shapes = jnp.log1p(jnp.exp(shapes))
    sp_scales = jnp.log1p(jnp.exp(scales))
    # Beta rsample (fixed key stands in for torch's stochastic rsample)
    skey = jax.random.key(42)
    samples = jax.random.beta(skey, sp_shapes, sp_scales)  # (dim, J)

    # Build tree intervals exactly as Tree.get_intervals()
    lowers = [None] * J
    uppers = [None] * J
    lowers[0] = jnp.zeros((DIM,), dtype=samples.dtype)
    uppers[0] = jnp.ones((DIM,), dtype=samples.dtype)
    for node in range(1, J):
        p = (node - 1) // 2
        beta = samples[:, p]
        length = uppers[p] - lowers[p]
        if node % 2 == 1:  # left child
            lowers[node] = lowers[p]
            uppers[node] = lowers[p] + beta * length
        else:  # right child
            lowers[node] = lowers[p] + beta * length
            uppers[node] = lowers[p] + beta * length + (1.0 - beta) * length
    lowers_m = jnp.stack(lowers, axis=1)  # (dim, J)
    uppers_m = jnp.stack(uppers, axis=1)  # (dim, J)

    xe = x[:, :, None]  # (n, dim, 1)
    mask = (xe > lowers_m[None]) & (xe <= uppers_m[None])  # (n, dim, J)

    # Each point lies in exactly one node per level; nonzero(row-major) in the
    # torch code yields node indices sorted ascending == one index per level.
    idx_levels = []
    for l in range(L):
        s = 2 ** l - 1
        e = 2 ** (l + 1) - 1
        off = jnp.argmax(mask[:, :, s:e], axis=-1)
        idx_levels.append(off + s)
    idx = jnp.stack(idx_levels, axis=-1)  # (n, dim, L)

    d_idx = jnp.arange(DIM)[None, :, None]
    Y = jnp.prod(samples[d_idx, idx], axis=-1)  # (n, dim)
    B = uppers_m - lowers_m
    log_B = jnp.log(B[jnp.arange(DIM)[None, :], idx[:, :, -1]])  # (n, dim)
    log_like_vec = (jnp.log(Y) - log_B).mean(-1)  # (n,)
    return log_like_vec


def reference(x, shapes, scales):
    return _forward(x, shapes, scales)

if __name__ == "__main__":
    import jax
    _d = setup_inputs()
    print(jax.jit(kernel)(*tuple(_d.values())))

</pallas_src>

<mosaic_0001>
#map = affine_map<(d0, d1) -> (0, 0)>
#map1 = affine_map<(d0, d1) -> (0)>
module attributes {stable_mosaic.version = 14 : i64} {
  func.func @sc_search(%arg0: i32, %arg1: i32, %arg2: memref<16x32768xf32, #tpu.memory_space<hbm>>, %arg3: memref<1024xf32, #tpu.memory_space<hbm>>, %arg4: memref<1024xf32, #tpu.memory_space<hbm>>, %arg5: memref<32768xf32, #tpu.memory_space<hbm>>, %arg6: memref<16x1024xf32, #tpu.memory_space<vmem>>, %arg7: memref<1024xf32, #tpu.memory_space<vmem>>, %arg8: memref<1024xf32, #tpu.memory_space<vmem>>, %arg9: memref<1024xf32, #tpu.memory_space<vmem>>) attributes {dimension_semantics = [#tpu.dimension_semantics<core_parallel>, #tpu.dimension_semantics<subcore_parallel>], iteration_bounds = array<i64: 2, 16>, scalar_prefetch = 0 : i64, scratch_operands = 4 : i64, tpu.core_type = #tpu.core_type<sc_vector_subcore>, window_params = [{transform_indices = #map}, {transform_indices = #map1}, {transform_indices = #map1}, {transform_indices = #map1}]} {
    %mul3A = arith.constant 2 : i32
    %mul3A_0 = arith.muli %arg1, %mul3A : i32
    %add3A = arith.addi %mul3A_0, %arg0 : i32
    %mul3A_1 = arith.constant 1024 : i32
    %mul3A_2 = arith.muli %add3A, %mul3A_1 : i32
    "tpu.region"() ({
      %run_scoped3A = tpu.sem_alloc : memref<!tpu.dma_semaphore, #tpu.memory_space<semaphore_mem>>
      tpu.enqueue_dma source(%arg3 : memref<1024xf32, #tpu.memory_space<hbm>>) target(%arg7 : memref<1024xf32, #tpu.memory_space<vmem>>) target_semaphore(%run_scoped3A : memref<!tpu.dma_semaphore, #tpu.memory_space<semaphore_mem>>)
      tpu.wait_dma2 semaphore(%run_scoped3A : memref<!tpu.dma_semaphore, #tpu.memory_space<semaphore_mem>>) src(%arg3 : memref<1024xf32, #tpu.memory_space<hbm>>) dst(%arg7 : memref<1024xf32, #tpu.memory_space<vmem>>)
      tpu.yield
    }) : () -> ()
    "tpu.region"() ({
      %run_scoped3A = tpu.sem_alloc : memref<!tpu.dma_semaphore, #tpu.memory_space<semaphore_mem>>
      tpu.enqueue_dma source(%arg4 : memref<1024xf32, #tpu.memory_space<hbm>>) target(%arg8 : memref<1024xf32, #tpu.memory_space<vmem>>) target_semaphore(%run_scoped3A : memref<!tpu.dma_semaphore, #tpu.memory_space<semaphore_mem>>)
      tpu.wait_dma2 semaphore(%run_scoped3A : memref<!tpu.dma_semaphore, #tpu.memory_space<semaphore_mem>>) src(%arg4 : memref<1024xf32, #tpu.memory_space<hbm>>) dst(%arg8 : memref<1024xf32, #tpu.memory_space<vmem>>)
      tpu.yield
    }) : () -> ()
    "tpu.region"() ({
      %run_scoped3A = tpu.sem_alloc : memref<!tpu.dma_semaphore, #tpu.memory_space<semaphore_mem>>
      %dma_start3A = arith.constant 0 : i32
      %dma_start3A_8 = tpu.memref_slice %arg2[%dma_start3A, %mul3A_2] : memref<16x32768xf32, #tpu.memory_space<hbm>> -> memref<16x1024xf32, #tpu.memory_space<hbm>>
      %dma_start3A_9 = arith.constant 0 : i32
      %dma_start3A_10 = tpu.memref_slice %arg2[%dma_start3A_9, %mul3A_2] : memref<16x32768xf32, #tpu.memory_space<hbm>> -> memref<16x1024xf32, #tpu.memory_space<hbm>>
      tpu.enqueue_dma source(%dma_start3A_10 : memref<16x1024xf32, #tpu.memory_space<hbm>>) target(%arg6 : memref<16x1024xf32, #tpu.memory_space<vmem>>) target_semaphore(%run_scoped3A : memref<!tpu.dma_semaphore, #tpu.memory_space<semaphore_mem>>)
      %dma_wait3A = arith.constant 0 : i32
      %dma_wait3A_11 = tpu.memref_slice %arg2[%dma_wait3A, %mul3A_2] : memref<16x32768xf32, #tpu.memory_space<hbm>> -> memref<16x1024xf32, #tpu.memory_space<hbm>>
      %dma_wait3A_12 = arith.constant 0 : i32
      %dma_wait3A_13 = tpu.memref_slice %arg2[%dma_wait3A_12, %mul3A_2] : memref<16x32768xf32, #tpu.memory_space<hbm>> -> memref<16x1024xf32, #tpu.memory_space<hbm>>
      tpu.wait_dma2 semaphore(%run_scoped3A : memref<!tpu.dma_semaphore, #tpu.memory_space<semaphore_mem>>) src(%dma_wait3A_13 : memref<16x1024xf32, #tpu.memory_space<hbm>>) dst(%arg6 : memref<16x1024xf32, #tpu.memory_space<vmem>>)
      tpu.yield
    }) : () -> ()
    %scan3A = arith.constant 0 : i32
    %scan3A_3 = arith.constant 0 : i32
    %scan3A_4 = arith.constant 64 : i32
    %scan3A_5 = arith.addi %scan3A_3, %scan3A_4 : i32
    %scan3A_6 = arith.constant 1 : i32
    scf.for %scan3A_8 = %scan3A_3 to %scan3A_5 step %scan3A_6  : i32 {
      %mul3A_9 = arith.constant 16 : i32
      %mul3A_10 = arith.muli %scan3A_8, %mul3A_9 : i32
      %broadcast_in_dim3A = arith.constant 0.000000e+00 : f32
      %broadcast_in_dim3A_11 = vector.broadcast %broadcast_in_dim3A : f32 to vector<16xf32>
      %get3A = arith.constant 0 : i32
      %get3A_12 = arith.index_cast %get3A : i32 to index
      %get3A_13 = arith.index_cast %mul3A_10 : i32 to index
      %get3A_14 = tpu.vector_load %arg6[%get3A_12, %get3A_13] {strides = array<i32>} : memref<16x1024xf32, #tpu.memory_space<vmem>>, vector<16xf32>,
      %broadcast_in_dim3A_15 = arith.constant 0 : i32
      %broadcast_in_dim3A_16 = vector.broadcast %broadcast_in_dim3A_15 : i32 to vector<16xi32>
      %add3A_17 = arith.constant 31 : i32
      %add3A_18 = vector.broadcast %add3A_17 : i32 to vector<16xi32>
      %add3A_19 = arith.addi %broadcast_in_dim3A_16, %add3A_18 : vector<16xi32>
      %gather3A = tpu.vector_load_idx %arg7[%add3A_19] : memref<1024xf32, #tpu.memory_space<vmem>>[vector<16xi32>], vector<16xf32>,
      %lt3A = arith.cmpf olt, %gather3A, %get3A_14 : vector<16xf32>
      %add3A_20 = arith.constant 32 : i32
      %add3A_21 = vector.broadcast %add3A_20 : i32 to vector<16xi32>
      %add3A_22 = arith.addi %broadcast_in_dim3A_16, %add3A_21 : vector<16xi32>
      %select_n3A = arith.select %lt3A, %add3A_22, %broadcast_in_dim3A_16 : vector<16xi1>, vector<16xi32>
      %add3A_23 = arith.constant 15 : i32
      %add3A_24 = vector.broadcast %add3A_23 : i32 to vector<16xi32>
      %add3A_25 = arith.addi %select_n3A, %add3A_24 : vector<16xi32>
      %gather3A_26 = tpu.vector_load_idx %arg7[%add3A_25] : memref<1024xf32, #tpu.memory_space<vmem>>[vector<16xi32>], vector<16xf32>,
      %lt3A_27 = arith.cmpf olt, %gather3A_26, %get3A_14 : vector<16xf32>
      %add3A_28 = arith.constant 16 : i32
      %add3A_29 = vector.broadcast %add3A_28 : i32 to vector<16xi32>
      %add3A_30 = arith.addi %select_n3A, %add3A_29 : vector<16xi32>
      %select_n3A_31 = arith.select %lt3A_27, %add3A_30, %select_n3A : vector<16xi1>, vector<16xi32>
      %add3A_32 = arith.constant 7 : i32
      %add3A_33 = vector.broadcast %add3A_32 : i32 to vector<16xi32>
      %add3A_34 = arith.addi %select_n3A_31, %add3A_33 : vector<16xi32>
      %gather3A_35 = tpu.vector_load_idx %arg7[%add3A_34] : memref<1024xf32, #tpu.memory_space<vmem>>[vector<16xi32>], vector<16xf32>,
      %lt3A_36 = arith.cmpf olt, %gather3A_35, %get3A_14 : vector<16xf32>
      %add3A_37 = arith.constant 8 : i32
      %add3A_38 = vector.broadcast %add3A_37 : i32 to vector<16xi32>
      %add3A_39 = arith.addi %select_n3A_31, %add3A_38 : vector<16xi32>
      %select_n3A_40 = arith.select %lt3A_36, %add3A_39, %select_n3A_31 : vector<16xi1>, vector<16xi32>
      %add3A_41 = arith.constant 3 : i32
      %add3A_42 = vector.broadcast %add3A_41 : i32 to vector<16xi32>
      %add3A_43 = arith.addi %select_n3A_40, %add3A_42 : vector<16xi32>
      %gather3A_44 = tpu.vector_load_idx %arg7[%add3A_43] : memref<1024xf32, #tpu.memory_space<vmem>>[vector<16xi32>], vector<16xf32>,
      %lt3A_45 = arith.cmpf olt, %gather3A_44, %get3A_14 : vector<16xf32>
      %add3A_46 = arith.constant 4 : i32
      %add3A_47 = vector.broadcast %add3A_46 : i32 to vector<16xi32>
      %add3A_48 = arith.addi %select_n3A_40, %add3A_47 : vector<16xi32>
      %select_n3A_49 = arith.select %lt3A_45, %add3A_48, %select_n3A_40 : vector<16xi1>, vector<16xi32>
      %add3A_50 = arith.constant 1 : i32
      %add3A_51 = vector.broadcast %add3A_50 : i32 to vector<16xi32>
      %add3A_52 = arith.addi %select_n3A_49, %add3A_51 : vector<16xi32>
      %gather3A_53 = tpu.vector_load_idx %arg7[%add3A_52] : memref<1024xf32, #tpu.memory_space<vmem>>[vector<16xi32>], vector<16xf32>,
      %lt3A_54 = arith.cmpf olt, %gather3A_53, %get3A_14 : vector<16xf32>
      %add3A_55 = arith.constant 2 : i32
      %add3A_56 = vector.broadcast %add3A_55 : i32 to vector<16xi32>
      %add3A_57 = arith.addi %select_n3A_49, %add3A_56 : vector<16xi32>
      %select_n3A_58 = arith.select %lt3A_54, %add3A_57, %select_n3A_49 : vector<16xi1>, vector<16xi32>
      %add3A_59 = arith.constant 0 : i32
      %add3A_60 = vector.broadcast %add3A_59 : i32 to vector<16xi32>
      %add3A_61 = arith.addi %select_n3A_58, %add3A_60 : vector<16xi32>
      %gather3A_62 = tpu.vector_load_idx %arg7[%add3A_61] : memref<1024xf32, #tpu.memory_space<vmem>>[vector<16xi32>], vector<16xf32>,
      %lt3A_63 = arith.cmpf olt, %gather3A_62, %get3A_14 : vector<16xf32>
      %add3A_64 = arith.constant 1 : i32
      %add3A_65 = vector.broadcast %add3A_64 : i32 to vector<16xi32>
      %add3A_66 = arith.addi %select_n3A_58, %add3A_65 : vector<16xi32>
      %select_n3A_67 = arith.select %lt3A_63, %add3A_66, %select_n3A_58 : vector<16xi1>, vector<16xi32>
      %add3A_68 = arith.constant 0 : i32
      %add3A_69 = vector.broadcast %add3A_68 : i32 to vector<16xi32>
      %add3A_70 = arith.addi %select_n3A_67, %add3A_69 : vector<16xi32>
      %gather3A_71 = tpu.vector_load_idx %arg8[%add3A_70] : memref<1024xf32, #tpu.memory_space<vmem>>[vector<16xi32>], vector<16xf32>,
      %add3A_72 = arith.addf %broadcast_in_dim3A_11, %gather3A_71 : vector<16xf32>
      %get3A_73 = arith.constant 1 : i32
      %get3A_74 = arith.index_cast %get3A_73 : i32 to index
      %get3A_75 = arith.index_cast %mul3A_10 : i32 to index
      %get3A_76 = tpu.vector_load %arg6[%get3A_74, %get3A_75] {strides = array<i32>} : memref<16x1024xf32, #tpu.memory_space<vmem>>, vector<16xf32>,
      %broadcast_in_dim3A_77 = arith.constant 0 : i32
      %broadcast_in_dim3A_78 = vector.broadcast %broadcast_in_dim3A_77 : i32 to vector<16xi32>
      %add3A_79 = arith.constant 95 : i32
      %add3A_80 = vector.broadcast %add3A_79 : i32 to vector<16xi32>
      %add3A_81 = arith.addi %broadcast_in_dim3A_78, %add3A_80 : vector<16xi32>
      %gather3A_82 = tpu.vector_load_idx %arg7[%add3A_81] : memref<1024xf32, #tpu.memory_space<vmem>>[vector<16xi32>], vector<16xf32>,
      %lt3A_83 = arith.cmpf olt, %gather3A_82, %get3A_76 : vector<16xf32>
      %add3A_84 = arith.constant 32 : i32
      %add3A_85 = vector.broadcast %add3A_84 : i32 to vector<16xi32>
      %add3A_86 = arith.addi %broadcast_in_dim3A_78, %add3A_85 : vector<16xi32>
      %select_n3A_87 = arith.select %lt3A_83, %add3A_86, %broadcast_in_dim3A_78 : vector<16xi1>, vector<16xi32>
      %add3A_88 = arith.constant 79 : i32
      %add3A_89 = vector.broadcast %add3A_88 : i32 to vector<16xi32>
      %add3A_90 = arith.addi %select_n3A_87, %add3A_89 : vector<16xi32>
      %gather3A_91 = tpu.vector_load_idx %arg7[%add3A_90] : memref<1024xf32, #tpu.memory_space<vmem>>[vector<16xi32>], vector<16xf32>,
      %lt3A_92 = arith.cmpf olt, %gather3A_91, %get3A_76 : vector<16xf32>
      %add3A_93 = arith.constant 16 : i32
      %add3A_94 = vector.broadcast %add3A_93 : i32 to vector<16xi32>
      %add3A_95 = arith.addi %select_n3A_87, %add3A_94 : vector<16xi32>
      %select_n3A_96 = arith.select %lt3A_92, %add3A_95, %select_n3A_87 : vector<16xi1>, vector<16xi32>
      %add3A_97 = arith.constant 71 : i32
      %add3A_98 = vector.broadcast %add3A_97 : i32 to vector<16xi32>
      %add3A_99 = arith.addi %select_n3A_96, %add3A_98 : vector<16xi32>
      %gather3A_100 = tpu.vector_load_idx %arg7[%add3A_99] : memref<1024xf32, #tpu.memory_space<vmem>>[vector<16xi32>], vector<16xf32>,
      %lt3A_101 = arith.cmpf olt, %gather3A_100, %get3A_76 : vector<16xf32>
      %add3A_102 = arith.constant 8 : i32
      %add3A_103 = vector.broadcast %add3A_102 : i32 to vector<16xi32>
      %add3A_104 = arith.addi %select_n3A_96, %add3A_103 : vector<16xi32>
      %select_n3A_105 = arith.select %lt3A_101, %add3A_104, %select_n3A_96 : vector<16xi1>, vector<16xi32>
      %add3A_106 = arith.constant 67 : i32
      %add3A_107 = vector.broadcast %add3A_106 : i32 to vector<16xi32>
      %add3A_108 = arith.addi %select_n3A_105, %add3A_107 : vector<16xi32>
      %gather3A_109 = tpu.vector_load_idx %arg7[%add3A_108] : memref<1024xf32, #tpu.memory_space<vmem>>[vector<16xi32>], vector<16xf32>,
      %lt3A_110 = arith.cmpf olt, %gather3A_109, %get3A_76 : vector<16xf32>
      %add3A_111 = arith.constant 4 : i32
      %add3A_112 = vector.broadcast %add3A_111 : i32 to vector<16xi32>
      %add3A_113 = arith.addi %select_n3A_105, %add3A_112 : vector<16xi32>
      %select_n3A_114 = arith.select %lt3A_110, %add3A_113, %select_n3A_105 : vector<16xi1>, vector<16xi32>
      %add3A_115 = arith.constant 65 : i32
      %add3A_116 = vector.broadcast %add3A_115 : i32 to vector<16xi32>
      %add3A_117 = arith.addi %select_n3A_114, %add3A_116 : vector<16xi32>
      %gather3A_118 = tpu.vector_load_idx %arg7[%add3A_117] : memref<1024xf32, #tpu.memory_space<vmem>>[vector<16xi32>], vector<16xf32>,
      %lt3A_119 = arith.cmpf olt, %gather3A_118, %get3A_76 : vector<16xf32>
      %add3A_120 = arith.constant 2 : i32
      %add3A_121 = vector.broadcast %add3A_120 : i32 to vector<16xi32>
      %add3A_122 = arith.addi %select_n3A_114, %add3A_121 : vector<16xi32>
      %select_n3A_123 = arith.select %lt3A_119, %add3A_122, %select_n3A_114 : vector<16xi1>, vector<16xi32>
      %add3A_124 = arith.constant 64 : i32
      %add3A_125 = vector.broadcast %add3A_124 : i32 to vector<16xi32>
      %add3A_126 = arith.addi %select_n3A_123, %add3A_125 : vector<16xi32>
      %gather3A_127 = tpu.vector_load_idx %arg7[%add3A_126] : memref<1024xf32, #tpu.memory_space<vmem>>[vector<16xi32>], vector<16xf32>,
      %lt3A_128 = arith.cmpf olt, %gather3A_127, %get3A_76 : vector<16xf32>
      %add3A_129 = arith.constant 1 : i32
      %add3A_130 = vector.broadcast %add3A_129 : i32 to vector<16xi32>
      %add3A_131 = arith.addi %select_n3A_123, %add3A_130 : vector<16xi32>
      %select_n3A_132 = arith.select %lt3A_128, %add3A_131, %select_n3A_123 : vector<16xi1>, vector<16xi32>
      %add3A_133 = arith.constant 64 : i32
      %add3A_134 = vector.broadcast %add3A_133 : i32 to vector<16xi32>
      %add3A_135 = arith.addi %select_n3A_132, %add3A_134 : vector<16xi32>
      %gather3A_136 = tpu.vector_load_idx %arg8[%add3A_135] : memref<1024xf32, #tpu.memory_space<vmem>>[vector<16xi32>], vector<16xf32>,
      %add3A_137 = arith.addf %add3A_72, %gather3A_136 : vector<16xf32>
      %get3A_138 = arith.constant 2 : i32
      %get3A_139 = arith.index_cast %get3A_138 : i32 to index
      %get3A_140 = arith.index_cast %mul3A_10 : i32 to index
      %get3A_141 = tpu.vector_load %arg6[%get3A_139, %get3A_140] {strides = array<i32>} : memref<16x1024xf32, #tpu.memory_space<vmem>>, vector<16xf32>,
      %broadcast_in_dim3A_142 = arith.constant 0 : i32
      %broadcast_in_dim3A_143 = vector.broadcast %broadcast_in_dim3A_142 : i32 to vector<16xi32>
      %add3A_144 = arith.constant 159 : i32
      %add3A_145 = vector.broadcast %add3A_144 : i32 to vector<16xi32>
      %add3A_146 = arith.addi %broadcast_in_dim3A_143, %add3A_145 : vector<16xi32>
      %gather3A_147 = tpu.vector_load_idx %arg7[%add3A_146] : memref<1024xf32, #tpu.memory_space<vmem>>[vector<16xi32>], vector<16xf32>,
      %lt3A_148 = arith.cmpf olt, %gather3A_147, %get3A_141 : vector<16xf32>
      %add3A_149 = arith.constant 32 : i32
      %add3A_150 = vector.broadcast %add3A_149 : i32 to vector<16xi32>
      %add3A_151 = arith.addi %broadcast_in_dim3A_143, %add3A_150 : vector<16xi32>
      %select_n3A_152 = arith.select %lt3A_148, %add3A_151, %broadcast_in_dim3A_143 : vector<16xi1>, vector<16xi32>
      %add3A_153 = arith.constant 143 : i32
      %add3A_154 = vector.broadcast %add3A_153 : i32 to vector<16xi32>
      %add3A_155 = arith.addi %select_n3A_152, %add3A_154 : vector<16xi32>
      %gather3A_156 = tpu.vector_load_idx %arg7[%add3A_155] : memref<1024xf32, #tpu.memory_space<vmem>>[vector<16xi32>], vector<16xf32>,
      %lt3A_157 = arith.cmpf olt, %gather3A_156, %get3A_141 : vector<16xf32>
      %add3A_158 = arith.constant 16 : i32
      %add3A_159 = vector.broadcast %add3A_158 : i32 to vector<16xi32>
      %add3A_160 = arith.addi %select_n3A_152, %add3A_159 : vector<16xi32>
      %select_n3A_161 = arith.select %lt3A_157, %add3A_160, %select_n3A_152 : vector<16xi1>, vector<16xi32>
      %add3A_162 = arith.constant 135 : i32
      %add3A_163 = vector.broadcast %add3A_162 : i32 to vector<16xi32>
      %add3A_164 = arith.addi %select_n3A_161, %add3A_163 : vector<16xi32>
      %gather3A_165 = tpu.vector_load_idx %arg7[%add3A_164] : memref<1024xf32, #tpu.memory_space<vmem>>[vector<16xi32>], vector<16xf32>,
      %lt3A_166 = arith.cmpf olt, %gather3A_165, %get3A_141 : vector<16xf32>
      %add3A_167 = arith.constant 8 : i32
      %add3A_168 = vector.broadcast %add3A_167 : i32 to vector<16xi32>
      %add3A_169 = arith.addi %select_n3A_161, %add3A_168 : vector<16xi32>
      %select_n3A_170 = arith.select %lt3A_166, %add3A_169, %select_n3A_161 : vector<16xi1>, vector<16xi32>
      %add3A_171 = arith.constant 131 : i32
      %add3A_172 = vector.broadcast %add3A_171 : i32 to vector<16xi32>
      %add3A_173 = arith.addi %select_n3A_170, %add3A_172 : vector<16xi32>
      %gather3A_174 = tpu.vector_load_idx %arg7[%add3A_173] : memref<1024xf32, #tpu.memory_space<vmem>>[vector<16xi32>], vector<16xf32>,
      %lt3A_175 = arith.cmpf olt, %gather3A_174, %get3A_141 : vector<16xf32>
      %add3A_176 = arith.constant 4 : i32
      %add3A_177 = vector.broadcast %add3A_176 : i32 to vector<16xi32>
      %add3A_178 = arith.addi %select_n3A_170, %add3A_177 : vector<16xi32>
      %select_n3A_179 = arith.select %lt3A_175, %add3A_178, %select_n3A_170 : vector<16xi1>, vector<16xi32>
      %add3A_180 = arith.constant 129 : i32
      %add3A_181 = vector.broadcast %add3A_180 : i32 to vector<16xi32>
      %add3A_182 = arith.addi %select_n3A_179, %add3A_181 : vector<16xi32>
      %gather3A_183 = tpu.vector_load_idx %arg7[%add3A_182] : memref<1024xf32, #tpu.memory_space<vmem>>[vector<16xi32>], vector<16xf32>,
      %lt3A_184 = arith.cmpf olt, %gather3A_183, %get3A_141 : vector<16xf32>
      %add3A_185 = arith.constant 2 : i32
      %add3A_186 = vector.broadcast %add3A_185 : i32 to vector<16xi32>
      %add3A_187 = arith.addi %select_n3A_179, %add3A_186 : vector<16xi32>
      %select_n3A_188 = arith.select %lt3A_184, %add3A_187, %select_n3A_179 : vector<16xi1>, vector<16xi32>
      %add3A_189 = arith.constant 128 : i32
      %add3A_190 = vector.broadcast %add3A_189 : i32 to vector<16xi32>
      %add3A_191 = arith.addi %select_n3A_188, %add3A_190 : vector<16xi32>
      %gather3A_192 = tpu.vector_load_idx %arg7[%add3A_191] : memref<1024xf32, #tpu.memory_space<vmem>>[vector<16xi32>], vector<16xf32>,
      %lt3A_193 = arith.cmpf olt, %gather3A_192, %get3A_141 : vector<16xf32>
      %add3A_194 = arith.constant 1 : i32
      %add3A_195 = vector.broadcast %add3A_194 : i32 to vector<16xi32>
      %add3A_196 = arith.addi %select_n3A_188, %add3A_195 : vector<16xi32>
      %select_n3A_197 = arith.select %lt3A_193, %add3A_196, %select_n3A_188 : vector<16xi1>, vector<16xi32>
      %add3A_198 = arith.constant 128 : i32
      %add3A_199 = vector.broadcast %add3A_198 : i32 to vector<16xi32>
      %add3A_200 = arith.addi %select_n3A_197, %add3A_199 : vector<16xi32>
      %gather3A_201 = tpu.vector_load_idx %arg8[%add3A_200] : memref<1024xf32, #tpu.memory_space<vmem>>[vector<16xi32>], vector<16xf32>,
      %add3A_202 = arith.addf %add3A_137, %gather3A_201 : vector<16xf32>
      %get3A_203 = arith.constant 3 : i32
      %get3A_204 = arith.index_cast %get3A_203 : i32 to index
      %get3A_205 = arith.index_cast %mul3A_10 : i32 to index
      %get3A_206 = tpu.vector_load %arg6[%get3A_204, %get3A_205] {strides = array<i32>} : memref<16x1024xf32, #tpu.memory_space<vmem>>, vector<16xf32>,
      %broadcast_in_dim3A_207 = arith.constant 0 : i32
      %broadcast_in_dim3A_208 = vector.broadcast %broadcast_in_dim3A_207 : i32 to vector<16xi32>
      %add3A_209 = arith.constant 223 : i32
      %add3A_210 = vector.broadcast %add3A_209 : i32 to vector<16xi32>
      %add3A_211 = arith.addi %broadcast_in_dim3A_208, %add3A_210 : vector<16xi32>
      %gather3A_212 = tpu.vector_load_idx %arg7[%add3A_211] : memref<1024xf32, #tpu.memory_space<vmem>>[vector<16xi32>], vector<16xf32>,
      %lt3A_213 = arith.cmpf olt, %gather3A_212, %get3A_206 : vector<16xf32>
      %add3A_214 = arith.constant 32 : i32
      %add3A_215 = vector.broadcast %add3A_214 : i32 to vector<16xi32>
      %add3A_216 = arith.addi %broadcast_in_dim3A_208, %add3A_215 : vector<16xi32>
      %select_n3A_217 = arith.select %lt3A_213, %add3A_216, %broadcast_in_dim3A_208 : vector<16xi1>, vector<16xi32>
      %add3A_218 = arith.constant 207 : i32
      %add3A_219 = vector.broadcast %add3A_218 : i32 to vector<16xi32>
      %add3A_220 = arith.addi %select_n3A_217, %add3A_219 : vector<16xi32>
      %gather3A_221 = tpu.vector_load_idx %arg7[%add3A_220] : memref<1024xf32, #tpu.memory_space<vmem>>[vector<16xi32>], vector<16xf32>,
      %lt3A_222 = arith.cmpf olt, %gather3A_221, %get3A_206 : vector<16xf32>
      %add3A_223 = arith.constant 16 : i32
      %add3A_224 = vector.broadcast %add3A_223 : i32 to vector<16xi32>
      %add3A_225 = arith.addi %select_n3A_217, %add3A_224 : vector<16xi32>
      %select_n3A_226 = arith.select %lt3A_222, %add3A_225, %select_n3A_217 : vector<16xi1>, vector<16xi32>
      %add3A_227 = arith.constant 199 : i32
      %add3A_228 = vector.broadcast %add3A_227 : i32 to vector<16xi32>
      %add3A_229 = arith.addi %select_n3A_226, %add3A_228 : vector<16xi32>
      %gather3A_230 = tpu.vector_load_idx %arg7[%add3A_229] : memref<1024xf32, #tpu.memory_space<vmem>>[vector<16xi32>], vector<16xf32>,
      %lt3A_231 = arith.cmpf olt, %gather3A_230, %get3A_206 : vector<16xf32>
      %add3A_232 = arith.constant 8 : i32
      %add3A_233 = vector.broadcast %add3A_232 : i32 to vector<16xi32>
      %add3A_234 = arith.addi %select_n3A_226, %add3A_233 : vector<16xi32>
      %select_n3A_235 = arith.select %lt3A_231, %add3A_234, %select_n3A_226 : vector<16xi1>, vector<16xi32>
      %add3A_236 = arith.constant 195 : i32
      %add3A_237 = vector.broadcast %add3A_236 : i32 to vector<16xi32>
      %add3A_238 = arith.addi %select_n3A_235, %add3A_237 : vector<16xi32>
      %gather3A_239 = tpu.vector_load_idx %arg7[%add3A_238] : memref<1024xf32, #tpu.memory_space<vmem>>[vector<16xi32>], vector<16xf32>,
      %lt3A_240 = arith.cmpf olt, %gather3A_239, %get3A_206 : vector<16xf32>
      %add3A_241 = arith.constant 4 : i32
      %add3A_242 = vector.broadcast %add3A_241 : i32 to vector<16xi32>
      %add3A_243 = arith.addi %select_n3A_235, %add3A_242 : vector<16xi32>
      %select_n3A_244 = arith.select %lt3A_240, %add3A_243, %select_n3A_235 : vector<16xi1>, vector<16xi32>
      %add3A_245 = arith.constant 193 : i32
      %add3A_246 = vector.broadcast %add3A_245 : i32 to vector<16xi32>
      %add3A_247 = arith.addi %select_n3A_244, %add3A_246 : vector<16xi32>
      %gather3A_248 = tpu.vector_load_idx %arg7[%add3A_247] : memref<1024xf32, #tpu.memory_space<vmem>>[vector<16xi32>], vector<16xf32>,
      %lt3A_249 = arith.cmpf olt, %gather3A_248, %get3A_206 : vector<16xf32>
      %add3A_250 = arith.constant 2 : i32
      %add3A_251 = vector.broadcast %add3A_250 : i32 to vector<16xi32>
      %add3A_252 = arith.addi %select_n3A_244, %add3A_251 : vector<16xi32>
      %select_n3A_253 = arith.select %lt3A_249, %add3A_252, %select_n3A_244 : vector<16xi1>, vector<16xi32>
      %add3A_254 = arith.constant 192 : i32
      %add3A_255 = vector.broadcast %add3A_254 : i32 to vector<16xi32>
      %add3A_256 = arith.addi %select_n3A_253, %add3A_255 : vector<16xi32>
      %gather3A_257 = tpu.vector_load_idx %arg7[%add3A_256] : memref<1024xf32, #tpu.memory_space<vmem>>[vector<16xi32>], vector<16xf32>,
      %lt3A_258 = arith.cmpf olt, %gather3A_257, %get3A_206 : vector<16xf32>
      %add3A_259 = arith.constant 1 : i32
      %add3A_260 = vector.broadcast %add3A_259 : i32 to vector<16xi32>
      %add3A_261 = arith.addi %select_n3A_253, %add3A_260 : vector<16xi32>
      %select_n3A_262 = arith.select %lt3A_258, %add3A_261, %select_n3A_253 : vector<16xi1>, vector<16xi32>
      %add3A_263 = arith.constant 192 : i32
      %add3A_264 = vector.broadcast %add3A_263 : i32 to vector<16xi32>
      %add3A_265 = arith.addi %select_n3A_262, %add3A_264 : vector<16xi32>
      %gather3A_266 = tpu.vector_load_idx %arg8[%add3A_265] : memref<1024xf32, #tpu.memory_space<vmem>>[vector<16xi32>], vector<16xf32>,
      %add3A_267 = arith.addf %add3A_202, %gather3A_266 : vector<16xf32>
      %get3A_268 = arith.constant 4 : i32
      %get3A_269 = arith.index_cast %get3A_268 : i32 to index
      %get3A_270 = arith.index_cast %mul3A_10 : i32 to index
      %get3A_271 = tpu.vector_load %arg6[%get3A_269, %get3A_270] {strides = array<i32>} : memref<16x1024xf32, #tpu.memory_space<vmem>>, vector<16xf32>,
      %broadcast_in_dim3A_272 = arith.constant 0 : i32
      %broadcast_in_dim3A_273 = vector.broadcast %broadcast_in_dim3A_272 : i32 to vector<16xi32>
      %add3A_274 = arith.constant 287 : i32
      %add3A_275 = vector.broadcast %add3A_274 : i32 to vector<16xi32>
      %add3A_276 = arith.addi %broadcast_in_dim3A_273, %add3A_275 : vector<16xi32>
      %gather3A_277 = tpu.vector_load_idx %arg7[%add3A_276] : memref<1024xf32, #tpu.memory_space<vmem>>[vector<16xi32>], vector<16xf32>,
      %lt3A_278 = arith.cmpf olt, %gather3A_277, %get3A_271 : vector<16xf32>
      %add3A_279 = arith.constant 32 : i32
      %add3A_280 = vector.broadcast %add3A_279 : i32 to vector<16xi32>
      %add3A_281 = arith.addi %broadcast_in_dim3A_273, %add3A_280 : vector<16xi32>
      %select_n3A_282 = arith.select %lt3A_278, %add3A_281, %broadcast_in_dim3A_273 : vector<16xi1>, vector<16xi32>
      %add3A_283 = arith.constant 271 : i32
      %add3A_284 = vector.broadcast %add3A_283 : i32 to vector<16xi32>
      %add3A_285 = arith.addi %select_n3A_282, %add3A_284 : vector<16xi32>
      %gather3A_286 = tpu.vector_load_idx %arg7[%add3A_285] : memref<1024xf32, #tpu.memory_space<vmem>>[vector<16xi32>], vector<16xf32>,
      %lt3A_287 = arith.cmpf olt, %gather3A_286, %get3A_271 : vector<16xf32>
      %add3A_288 = arith.constant 16 : i32
      %add3A_289 = vector.broadcast %add3A_288 : i32 to vector<16xi32>
      %add3A_290 = arith.addi %select_n3A_282, %add3A_289 : vector<16xi32>
      %select_n3A_291 = arith.select %lt3A_287, %add3A_290, %select_n3A_282 : vector<16xi1>, vector<16xi32>
      %add3A_292 = arith.constant 263 : i32
      %add3A_293 = vector.broadcast %add3A_292 : i32 to vector<16xi32>
      %add3A_294 = arith.addi %select_n3A_291, %add3A_293 : vector<16xi32>
      %gather3A_295 = tpu.vector_load_idx %arg7[%add3A_294] : memref<1024xf32, #tpu.memory_space<vmem>>[vector<16xi32>], vector<16xf32>,
      %lt3A_296 = arith.cmpf olt, %gather3A_295, %get3A_271 : vector<16xf32>
      %add3A_297 = arith.constant 8 : i32
      %add3A_298 = vector.broadcast %add3A_297 : i32 to vector<16xi32>
      %add3A_299 = arith.addi %select_n3A_291, %add3A_298 : vector<16xi32>
      %select_n3A_300 = arith.select %lt3A_296, %add3A_299, %select_n3A_291 : vector<16xi1>, vector<16xi32>
      %add3A_301 = arith.constant 259 : i32
      %add3A_302 = vector.broadcast %add3A_301 : i32 to vector<16xi32>
      %add3A_303 = arith.addi %select_n3A_300, %add3A_302 : vector<16xi32>
      %gather3A_304 = tpu.vector_load_idx %arg7[%add3A_303] : memref<1024xf32, #tpu.memory_space<vmem>>[vector<16xi32>], vector<16xf32>,
      %lt3A_305 = arith.cmpf olt, %gather3A_304, %get3A_271 : vector<16xf32>
      %add3A_306 = arith.constant 4 : i32
      %add3A_307 = vector.broadcast %add3A_306 : i32 to vector<16xi32>
      %add3A_308 = arith.addi %select_n3A_300, %add3A_307 : vector<16xi32>
      %select_n3A_309 = arith.select %lt3A_305, %add3A_308, %select_n3A_300 : vector<16xi1>, vector<16xi32>
      %add3A_310 = arith.constant 257 : i32
      %add3A_311 = vector.broadcast %add3A_310 : i32 to vector<16xi32>
      %add3A_312 = arith.addi %select_n3A_309, %add3A_311 : vector<16xi32>
      %gather3A_313 = tpu.vector_load_idx %arg7[%add3A_312] : memref<1024xf32, #tpu.memory_space<vmem>>[vector<16xi32>], vector<16xf32>,
      %lt3A_314 = arith.cmpf olt, %gather3A_313, %get3A_271 : vector<16xf32>
      %add3A_315 = arith.constant 2 : i32
      %add3A_316 = vector.broadcast %add3A_315 : i32 to vector<16xi32>
      %add3A_317 = arith.addi %select_n3A_309, %add3A_316 : vector<16xi32>
      %select_n3A_318 = arith.select %lt3A_314, %add3A_317, %select_n3A_309 : vector<16xi1>, vector<16xi32>
      %add3A_319 = arith.constant 256 : i32
      %add3A_320 = vector.broadcast %add3A_319 : i32 to vector<16xi32>
      %add3A_321 = arith.addi %select_n3A_318, %add3A_320 : vector<16xi32>
      %gather3A_322 = tpu.vector_load_idx %arg7[%add3A_321] : memref<1024xf32, #tpu.memory_space<vmem>>[vector<16xi32>], vector<16xf32>,
      %lt3A_323 = arith.cmpf olt, %gather3A_322, %get3A_271 : vector<16xf32>
      %add3A_324 = arith.constant 1 : i32
      %add3A_325 = vector.broadcast %add3A_324 : i32 to vector<16xi32>
      %add3A_326 = arith.addi %select_n3A_318, %add3A_325 : vector<16xi32>
      %select_n3A_327 = arith.select %lt3A_323, %add3A_326, %select_n3A_318 : vector<16xi1>, vector<16xi32>
      %add3A_328 = arith.constant 256 : i32
      %add3A_329 = vector.broadcast %add3A_328 : i32 to vector<16xi32>
      %add3A_330 = arith.addi %select_n3A_327, %add3A_329 : vector<16xi32>
      %gather3A_331 = tpu.vector_load_idx %arg8[%add3A_330] : memref<1024xf32, #tpu.memory_space<vmem>>[vector<16xi32>], vector<16xf32>,
      %add3A_332 = arith.addf %add3A_267, %gather3A_331 : vector<16xf32>
      %get3A_333 = arith.constant 5 : i32
      %get3A_334 = arith.index_cast %get3A_333 : i32 to index
      %get3A_335 = arith.index_cast %mul3A_10 : i32 to index
      %get3A_336 = tpu.vector_load %arg6[%get3A_334, %get3A_335] {strides = array<i32>} : memref<16x1024xf32, #tpu.memory_space<vmem>>, vector<16xf32>,
      %broadcast_in_dim3A_337 = arith.constant 0 : i32
      %broadcast_in_dim3A_338 = vector.broadcast %broadcast_in_dim3A_337 : i32 to vector<16xi32>
      %add3A_339 = arith.constant 351 : i32
      %add3A_340 = vector.broadcast %add3A_339 : i32 to vector<16xi32>
      %add3A_341 = arith.addi %broadcast_in_dim3A_338, %add3A_340 : vector<16xi32>
      %gather3A_342 = tpu.vector_load_idx %arg7[%add3A_341] : memref<1024xf32, #tpu.memory_space<vmem>>[vector<16xi32>], vector<16xf32>,
      %lt3A_343 = arith.cmpf olt, %gather3A_342, %get3A_336 : vector<16xf32>
      %add3A_344 = arith.constant 32 : i32
      %add3A_345 = vector.broadcast %add3A_344 : i32 to vector<16xi32>
      %add3A_346 = arith.addi %broadcast_in_dim3A_338, %add3A_345 : vector<16xi32>
      %select_n3A_347 = arith.select %lt3A_343, %add3A_346, %broadcast_in_dim3A_338 : vector<16xi1>, vector<16xi32>
      %add3A_348 = arith.constant 335 : i32
      %add3A_349 = vector.broadcast %add3A_348 : i32 to vector<16xi32>
      %add3A_350 = arith.addi %select_n3A_347, %add3A_349 : vector<16xi32>
      %gather3A_351 = tpu.vector_load_idx %arg7[%add3A_350] : memref<1024xf32, #tpu.memory_space<vmem>>[vector<16xi32>], vector<16xf32>,
      %lt3A_352 = arith.cmpf olt, %gather3A_351, %get3A_336 : vector<16xf32>
      %add3A_353 = arith.constant 16 : i32
      %add3A_354 = vector.broadcast %add3A_353 : i32 to vector<16xi32>
      %add3A_355 = arith.addi %select_n3A_347, %add3A_354 : vector<16xi32>
      %select_n3A_356 = arith.select %lt3A_352, %add3A_355, %select_n3A_347 : vector<16xi1>, vector<16xi32>
      %add3A_357 = arith.constant 327 : i32
      %add3A_358 = vector.broadcast %add3A_357 : i32 to vector<16xi32>
      %add3A_359 = arith.addi %select_n3A_356, %add3A_358 : vector<16xi32>
      %gather3A_360 = tpu.vector_load_idx %arg7[%add3A_359] : memref<1024xf32, #tpu.memory_space<vmem>>[vector<16xi32>], vector<16xf32>,
      %lt3A_361 = arith.cmpf olt, %gather3A_360, %get3A_336 : vector<16xf32>
      %add3A_362 = arith.constant 8 : i32
      %add3A_363 = vector.broadcast %add3A_362 : i32 to vector<16xi32>
      %add3A_364 = arith.addi %select_n3A_356, %add3A_363 : vector<16xi32>
      %select_n3A_365 = arith.select %lt3A_361, %add3A_364, %select_n3A_356 : vector<16xi1>, vector<16xi32>
      %add3A_366 = arith.constant 323 : i32
      %add3A_367 = vector.broadcast %add3A_366 : i32 to vector<16xi32>
      %add3A_368 = arith.addi %select_n3A_365, %add3A_367 : vector<16xi32>
      %gather3A_369 = tpu.vector_load_idx %arg7[%add3A_368] : memref<1024xf32, #tpu.memory_space<vmem>>[vector<16xi32>], vector<16xf32>,
      %lt3A_370 = arith.cmpf olt, %gather3A_369, %get3A_336 : vector<16xf32>
      %add3A_371 = arith.constant 4 : i32
      %add3A_372 = vector.broadcast %add3A_371 : i32 to vector<16xi32>
      %add3A_373 = arith.addi %select_n3A_365, %add3A_372 : vector<16xi32>
      %select_n3A_374 = arith.select %lt3A_370, %add3A_373, %select_n3A_365 : vector<16xi1>, vector<16xi32>
      %add3A_375 = arith.constant 321 : i32
      %add3A_376 = vector.broadcast %add3A_375 : i32 to vector<16xi32>
      %add3A_377 = arith.addi %select_n3A_374, %add3A_376 : vector<16xi32>
      %gather3A_378 = tpu.vector_load_idx %arg7[%add3A_377] : memref<1024xf32, #tpu.memory_space<vmem>>[vector<16xi32>], vector<16xf32>,
      %lt3A_379 = arith.cmpf olt, %gather3A_378, %get3A_336 : vector<16xf32>
      %add3A_380 = arith.constant 2 : i32
      %add3A_381 = vector.broadcast %add3A_380 : i32 to vector<16xi32>
      %add3A_382 = arith.addi %select_n3A_374, %add3A_381 : vector<16xi32>
      %select_n3A_383 = arith.select %lt3A_379, %add3A_382, %select_n3A_374 : vector<16xi1>, vector<16xi32>
      %add3A_384 = arith.constant 320 : i32
      %add3A_385 = vector.broadcast %add3A_384 : i32 to vector<16xi32>
      %add3A_386 = arith.addi %select_n3A_383, %add3A_385 : vector<16xi32>
      %gather3A_387 = tpu.vector_load_idx %arg7[%add3A_386] : memref<1024xf32, #tpu.memory_space<vmem>>[vector<16xi32>], vector<16xf32>,
      %lt3A_388 = arith.cmpf olt, %gather3A_387, %get3A_336 : vector<16xf32>
      %add3A_389 = arith.constant 1 : i32
      %add3A_390 = vector.broadcast %add3A_389 : i32 to vector<16xi32>
      %add3A_391 = arith.addi %select_n3A_383, %add3A_390 : vector<16xi32>
      %select_n3A_392 = arith.select %lt3A_388, %add3A_391, %select_n3A_383 : vector<16xi1>, vector<16xi32>
      %add3A_393 = arith.constant 320 : i32
      %add3A_394 = vector.broadcast %add3A_393 : i32 to vector<16xi32>
      %add3A_395 = arith.addi %select_n3A_392, %add3A_394 : vector<16xi32>
      %gather3A_396 = tpu.vector_load_idx %arg8[%add3A_395] : memref<1024xf32, #tpu.memory_space<vmem>>[vector<16xi32>], vector<16xf32>,
      %add3A_397 = arith.addf %add3A_332, %gather3A_396 : vector<16xf32>
      %get3A_398 = arith.constant 6 : i32
      %get3A_399 = arith.index_cast %get3A_398 : i32 to index
      %get3A_400 = arith.index_cast %mul3A_10 : i32 to index
      %get3A_401 = tpu.vector_load %arg6[%get3A_399, %get3A_400] {strides = array<i32>} : memref<16x1024xf32, #tpu.memory_space<vmem>>, vector<16xf32>,
      %broadcast_in_dim3A_402 = arith.constant 0 : i32
      %broadcast_in_dim3A_403 = vector.broadcast %broadcast_in_dim3A_402 : i32 to vector<16xi32>
      %add3A_404 = arith.constant 415 : i32
      %add3A_405 = vector.broadcast %add3A_404 : i32 to vector<16xi32>
      %add3A_406 = arith.addi %broadcast_in_dim3A_403, %add3A_405 : vector<16xi32>
      %gather3A_407 = tpu.vector_load_idx %arg7[%add3A_406] : memref<1024xf32, #tpu.memory_space<vmem>>[vector<16xi32>], vector<16xf32>,
      %lt3A_408 = arith.cmpf olt, %gather3A_407, %get3A_401 : vector<16xf32>
      %add3A_409 = arith.constant 32 : i32
      %add3A_410 = vector.broadcast %add3A_409 : i32 to vector<16xi32>
      %add3A_411 = arith.addi %broadcast_in_dim3A_403, %add3A_410 : vector<16xi32>
      %select_n3A_412 = arith.select %lt3A_408, %add3A_411, %broadcast_in_dim3A_403 : vector<16xi1>, vector<16xi32>
      %add3A_413 = arith.constant 399 : i32
      %add3A_414 = vector.broadcast %add3A_413 : i32 to vector<16xi32>
      %add3A_415 = arith.addi %select_n3A_412, %add3A_414 : vector<16xi32>
      %gather3A_416 = tpu.vector_load_idx %arg7[%add3A_415] : memref<1024xf32, #tpu.memory_space<vmem>>[vector<16xi32>], vector<16xf32>,
      %lt3A_417 = arith.cmpf olt, %gather3A_416, %get3A_401 : vector<16xf32>
      %add3A_418 = arith.constant 16 : i32
      %add3A_419 = vector.broadcast %add3A_418 : i32 to vector<16xi32>
      %add3A_420 = arith.addi %select_n3A_412, %add3A_419 : vector<16xi32>
      %select_n3A_421 = arith.select %lt3A_417, %add3A_420, %select_n3A_412 : vector<16xi1>, vector<16xi32>
      %add3A_422 = arith.constant 391 : i32
      %add3A_423 = vector.broadcast %add3A_422 : i32 to vector<16xi32>
      %add3A_424 = arith.addi %select_n3A_421, %add3A_423 : vector<16xi32>
      %gather3A_425 = tpu.vector_load_idx %arg7[%add3A_424] : memref<1024xf32, #tpu.memory_space<vmem>>[vector<16xi32>], vector<16xf32>,
      %lt3A_426 = arith.cmpf olt, %gather3A_425, %get3A_401 : vector<16xf32>
      %add3A_427 = arith.constant 8 : i32
      %add3A_428 = vector.broadcast %add3A_427 : i32 to vector<16xi32>
      %add3A_429 = arith.addi %select_n3A_421, %add3A_428 : vector<16xi32>
      %select_n3A_430 = arith.select %lt3A_426, %add3A_429, %select_n3A_421 : vector<16xi1>, vector<16xi32>
      %add3A_431 = arith.constant 387 : i32
      %add3A_432 = vector.broadcast %add3A_431 : i32 to vector<16xi32>
      %add3A_433 = arith.addi %select_n3A_430, %add3A_432 : vector<16xi32>
      %gather3A_434 = tpu.vector_load_idx %arg7[%add3A_433] : memref<1024xf32, #tpu.memory_space<vmem>>[vector<16xi32>], vector<16xf32>,
      %lt3A_435 = arith.cmpf olt, %gather3A_434, %get3A_401 : vector<16xf32>
      %add3A_436 = arith.constant 4 : i32
      %add3A_437 = vector.broadcast %add3A_436 : i32 to vector<16xi32>
      %add3A_438 = arith.addi %select_n3A_430, %add3A_437 : vector<16xi32>
      %select_n3A_439 = arith.select %lt3A_435, %add3A_438, %select_n3A_430 : vector<16xi1>, vector<16xi32>
      %add3A_440 = arith.constant 385 : i32
      %add3A_441 = vector.broadcast %add3A_440 : i32 to vector<16xi32>
      %add3A_442 = arith.addi %select_n3A_439, %add3A_441 : vector<16xi32>
      %gather3A_443 = tpu.vector_load_idx %arg7[%add3A_442] : memref<1024xf32, #tpu.memory_space<vmem>>[vector<16xi32>], vector<16xf32>,
      %lt3A_444 = arith.cmpf olt, %gather3A_443, %get3A_401 : vector<16xf32>
      %add3A_445 = arith.constant 2 : i32
      %add3A_446 = vector.broadcast %add3A_445 : i32 to vector<16xi32>
      %add3A_447 = arith.addi %select_n3A_439, %add3A_446 : vector<16xi32>
      %select_n3A_448 = arith.select %lt3A_444, %add3A_447, %select_n3A_439 : vector<16xi1>, vector<16xi32>
      %add3A_449 = arith.constant 384 : i32
      %add3A_450 = vector.broadcast %add3A_449 : i32 to vector<16xi32>
      %add3A_451 = arith.addi %select_n3A_448, %add3A_450 : vector<16xi32>
      %gather3A_452 = tpu.vector_load_idx %arg7[%add3A_451] : memref<1024xf32, #tpu.memory_space<vmem>>[vector<16xi32>], vector<16xf32>,
      %lt3A_453 = arith.cmpf olt, %gather3A_452, %get3A_401 : vector<16xf32>
      %add3A_454 = arith.constant 1 : i32
      %add3A_455 = vector.broadcast %add3A_454 : i32 to vector<16xi32>
      %add3A_456 = arith.addi %select_n3A_448, %add3A_455 : vector<16xi32>
      %select_n3A_457 = arith.select %lt3A_453, %add3A_456, %select_n3A_448 : vector<16xi1>, vector<16xi32>
      %add3A_458 = arith.constant 384 : i32
      %add3A_459 = vector.broadcast %add3A_458 : i32 to vector<16xi32>
      %add3A_460 = arith.addi %select_n3A_457, %add3A_459 : vector<16xi32>
      %gather3A_461 = tpu.vector_load_idx %arg8[%add3A_460] : memref<1024xf32, #tpu.memory_space<vmem>>[vector<16xi32>], vector<16xf32>,
      %add3A_462 = arith.addf %add3A_397, %gather3A_461 : vector<16xf32>
      %get3A_463 = arith.constant 7 : i32
      %get3A_464 = arith.index_cast %get3A_463 : i32 to index
      %get3A_465 = arith.index_cast %mul3A_10 : i32 to index
      %get3A_466 = tpu.vector_load %arg6[%get3A_464, %get3A_465] {strides = array<i32>} : memref<16x1024xf32, #tpu.memory_space<vmem>>, vector<16xf32>,
      %broadcast_in_dim3A_467 = arith.constant 0 : i32
      %broadcast_in_dim3A_468 = vector.broadcast %broadcast_in_dim3A_467 : i32 to vector<16xi32>
      %add3A_469 = arith.constant 479 : i32
      %add3A_470 = vector.broadcast %add3A_469 : i32 to vector<16xi32>
      %add3A_471 = arith.addi %broadcast_in_dim3A_468, %add3A_470 : vector<16xi32>
      %gather3A_472 = tpu.vector_load_idx %arg7[%add3A_471] : memref<1024xf32, #tpu.memory_space<vmem>>[vector<16xi32>], vector<16xf32>,
      %lt3A_473 = arith.cmpf olt, %gather3A_472, %get3A_466 : vector<16xf32>
      %add3A_474 = arith.constant 32 : i32
      %add3A_475 = vector.broadcast %add3A_474 : i32 to vector<16xi32>
      %add3A_476 = arith.addi %broadcast_in_dim3A_468, %add3A_475 : vector<16xi32>
      %select_n3A_477 = arith.select %lt3A_473, %add3A_476, %broadcast_in_dim3A_468 : vector<16xi1>, vector<16xi32>
      %add3A_478 = arith.constant 463 : i32
      %add3A_479 = vector.broadcast %add3A_478 : i32 to vector<16xi32>
      %add3A_480 = arith.addi %select_n3A_477, %add3A_479 : vector<16xi32>
      %gather3A_481 = tpu.vector_load_idx %arg7[%add3A_480] : memref<1024xf32, #tpu.memory_space<vmem>>[vector<16xi32>], vector<16xf32>,
      %lt3A_482 = arith.cmpf olt, %gather3A_481, %get3A_466 : vector<16xf32>
      %add3A_483 = arith.constant 16 : i32
      %add3A_484 = vector.broadcast %add3A_483 : i32 to vector<16xi32>
      %add3A_485 = arith.addi %select_n3A_477, %add3A_484 : vector<16xi32>
      %select_n3A_486 = arith.select %lt3A_482, %add3A_485, %select_n3A_477 : vector<16xi1>, vector<16xi32>
      %add3A_487 = arith.constant 455 : i32
      %add3A_488 = vector.broadcast %add3A_487 : i32 to vector<16xi32>
      %add3A_489 = arith.addi %select_n3A_486, %add3A_488 : vector<16xi32>
      %gather3A_490 = tpu.vector_load_idx %arg7[%add3A_489] : memref<1024xf32, #tpu.memory_space<vmem>>[vector<16xi32>], vector<16xf32>,
      %lt3A_491 = arith.cmpf olt, %gather3A_490, %get3A_466 : vector<16xf32>
      %add3A_492 = arith.constant 8 : i32
      %add3A_493 = vector.broadcast %add3A_492 : i32 to vector<16xi32>
      %add3A_494 = arith.addi %select_n3A_486, %add3A_493 : vector<16xi32>
      %select_n3A_495 = arith.select %lt3A_491, %add3A_494, %select_n3A_486 : vector<16xi1>, vector<16xi32>
      %add3A_496 = arith.constant 451 : i32
      %add3A_497 = vector.broadcast %add3A_496 : i32 to vector<16xi32>
      %add3A_498 = arith.addi %select_n3A_495, %add3A_497 : vector<16xi32>
      %gather3A_499 = tpu.vector_load_idx %arg7[%add3A_498] : memref<1024xf32, #tpu.memory_space<vmem>>[vector<16xi32>], vector<16xf32>,
      %lt3A_500 = arith.cmpf olt, %gather3A_499, %get3A_466 : vector<16xf32>
      %add3A_501 = arith.constant 4 : i32
      %add3A_502 = vector.broadcast %add3A_501 : i32 to vector<16xi32>
      %add3A_503 = arith.addi %select_n3A_495, %add3A_502 : vector<16xi32>
      %select_n3A_504 = arith.select %lt3A_500, %add3A_503, %select_n3A_495 : vector<16xi1>, vector<16xi32>
      %add3A_505 = arith.constant 449 : i32
      %add3A_506 = vector.broadcast %add3A_505 : i32 to vector<16xi32>
      %add3A_507 = arith.addi %select_n3A_504, %add3A_506 : vector<16xi32>
      %gather3A_508 = tpu.vector_load_idx %arg7[%add3A_507] : memref<1024xf32, #tpu.memory_space<vmem>>[vector<16xi32>], vector<16xf32>,
      %lt3A_509 = arith.cmpf olt, %gather3A_508, %get3A_466 : vector<16xf32>
      %add3A_510 = arith.constant 2 : i32
      %add3A_511 = vector.broadcast %add3A_510 : i32 to vector<16xi32>
      %add3A_512 = arith.addi %select_n3A_504, %add3A_511 : vector<16xi32>
      %select_n3A_513 = arith.select %lt3A_509, %add3A_512, %select_n3A_504 : vector<16xi1>, vector<16xi32>
      %add3A_514 = arith.constant 448 : i32
      %add3A_515 = vector.broadcast %add3A_514 : i32 to vector<16xi32>
      %add3A_516 = arith.addi %select_n3A_513, %add3A_515 : vector<16xi32>
      %gather3A_517 = tpu.vector_load_idx %arg7[%add3A_516] : memref<1024xf32, #tpu.memory_space<vmem>>[vector<16xi32>], vector<16xf32>,
      %lt3A_518 = arith.cmpf olt, %gather3A_517, %get3A_466 : vector<16xf32>
      %add3A_519 = arith.constant 1 : i32
      %add3A_520 = vector.broadcast %add3A_519 : i32 to vector<16xi32>
      %add3A_521 = arith.addi %select_n3A_513, %add3A_520 : vector<16xi32>
      %select_n3A_522 = arith.select %lt3A_518, %add3A_521, %select_n3A_513 : vector<16xi1>, vector<16xi32>
      %add3A_523 = arith.constant 448 : i32
      %add3A_524 = vector.broadcast %add3A_523 : i32 to vector<16xi32>
      %add3A_525 = arith.addi %select_n3A_522, %add3A_524 : vector<16xi32>
      %gather3A_526 = tpu.vector_load_idx %arg8[%add3A_525] : memref<1024xf32, #tpu.memory_space<vmem>>[vector<16xi32>], vector<16xf32>,
      %add3A_527 = arith.addf %add3A_462, %gather3A_526 : vector<16xf32>
      %get3A_528 = arith.constant 8 : i32
      %get3A_529 = arith.index_cast %get3A_528 : i32 to index
      %get3A_530 = arith.index_cast %mul3A_10 : i32 to index
      %get3A_531 = tpu.vector_load %arg6[%get3A_529, %get3A_530] {strides = array<i32>} : memref<16x1024xf32, #tpu.memory_space<vmem>>, vector<16xf32>,
      %broadcast_in_dim3A_532 = arith.constant 0 : i32
      %broadcast_in_dim3A_533 = vector.broadcast %broadcast_in_dim3A_532 : i32 to vector<16xi32>
      %add3A_534 = arith.constant 543 : i32
      %add3A_535 = vector.broadcast %add3A_534 : i32 to vector<16xi32>
      %add3A_536 = arith.addi %broadcast_in_dim3A_533, %add3A_535 : vector<16xi32>
      %gather3A_537 = tpu.vector_load_idx %arg7[%add3A_536] : memref<1024xf32, #tpu.memory_space<vmem>>[vector<16xi32>], vector<16xf32>,
      %lt3A_538 = arith.cmpf olt, %gather3A_537, %get3A_531 : vector<16xf32>
      %add3A_539 = arith.constant 32 : i32
      %add3A_540 = vector.broadcast %add3A_539 : i32 to vector<16xi32>
      %add3A_541 = arith.addi %broadcast_in_dim3A_533, %add3A_540 : vector<16xi32>
      %select_n3A_542 = arith.select %lt3A_538, %add3A_541, %broadcast_in_dim3A_533 : vector<16xi1>, vector<16xi32>
      %add3A_543 = arith.constant 527 : i32
      %add3A_544 = vector.broadcast %add3A_543 : i32 to vector<16xi32>
      %add3A_545 = arith.addi %select_n3A_542, %add3A_544 : vector<16xi32>
      %gather3A_546 = tpu.vector_load_idx %arg7[%add3A_545] : memref<1024xf32, #tpu.memory_space<vmem>>[vector<16xi32>], vector<16xf32>,
      %lt3A_547 = arith.cmpf olt, %gather3A_546, %get3A_531 : vector<16xf32>
      %add3A_548 = arith.constant 16 : i32
      %add3A_549 = vector.broadcast %add3A_548 : i32 to vector<16xi32>
      %add3A_550 = arith.addi %select_n3A_542, %add3A_549 : vector<16xi32>
      %select_n3A_551 = arith.select %lt3A_547, %add3A_550, %select_n3A_542 : vector<16xi1>, vector<16xi32>
      %add3A_552 = arith.constant 519 : i32
      %add3A_553 = vector.broadcast %add3A_552 : i32 to vector<16xi32>
      %add3A_554 = arith.addi %select_n3A_551, %add3A_553 : vector<16xi32>
      %gather3A_555 = tpu.vector_load_idx %arg7[%add3A_554] : memref<1024xf32, #tpu.memory_space<vmem>>[vector<16xi32>], vector<16xf32>,
      %lt3A_556 = arith.cmpf olt, %gather3A_555, %get3A_531 : vector<16xf32>
      %add3A_557 = arith.constant 8 : i32
      %add3A_558 = vector.broadcast %add3A_557 : i32 to vector<16xi32>
      %add3A_559 = arith.addi %select_n3A_551, %add3A_558 : vector<16xi32>
      %select_n3A_560 = arith.select %lt3A_556, %add3A_559, %select_n3A_551 : vector<16xi1>, vector<16xi32>
      %add3A_561 = arith.constant 515 : i32
      %add3A_562 = vector.broadcast %add3A_561 : i32 to vector<16xi32>
      %add3A_563 = arith.addi %select_n3A_560, %add3A_562 : vector<16xi32>
      %gather3A_564 = tpu.vector_load_idx %arg7[%add3A_563] : memref<1024xf32, #tpu.memory_space<vmem>>[vector<16xi32>], vector<16xf32>,
      %lt3A_565 = arith.cmpf olt, %gather3A_564, %get3A_531 : vector<16xf32>
      %add3A_566 = arith.constant 4 : i32
      %add3A_567 = vector.broadcast %add3A_566 : i32 to vector<16xi32>
      %add3A_568 = arith.addi %select_n3A_560, %add3A_567 : vector<16xi32>
      %select_n3A_569 = arith.select %lt3A_565, %add3A_568, %select_n3A_560 : vector<16xi1>, vector<16xi32>
      %add3A_570 = arith.constant 513 : i32
      %add3A_571 = vector.broadcast %add3A_570 : i32 to vector<16xi32>
      %add3A_572 = arith.addi %select_n3A_569, %add3A_571 : vector<16xi32>
      %gather3A_573 = tpu.vector_load_idx %arg7[%add3A_572] : memref<1024xf32, #tpu.memory_space<vmem>>[vector<16xi32>], vector<16xf32>,
      %lt3A_574 = arith.cmpf olt, %gather3A_573, %get3A_531 : vector<16xf32>
      %add3A_575 = arith.constant 2 : i32
      %add3A_576 = vector.broadcast %add3A_575 : i32 to vector<16xi32>
      %add3A_577 = arith.addi %select_n3A_569, %add3A_576 : vector<16xi32>
      %select_n3A_578 = arith.select %lt3A_574, %add3A_577, %select_n3A_569 : vector<16xi1>, vector<16xi32>
      %add3A_579 = arith.constant 512 : i32
      %add3A_580 = vector.broadcast %add3A_579 : i32 to vector<16xi32>
      %add3A_581 = arith.addi %select_n3A_578, %add3A_580 : vector<16xi32>
      %gather3A_582 = tpu.vector_load_idx %arg7[%add3A_581] : memref<1024xf32, #tpu.memory_space<vmem>>[vector<16xi32>], vector<16xf32>,
      %lt3A_583 = arith.cmpf olt, %gather3A_582, %get3A_531 : vector<16xf32>
      %add3A_584 = arith.constant 1 : i32
      %add3A_585 = vector.broadcast %add3A_584 : i32 to vector<16xi32>
      %add3A_586 = arith.addi %select_n3A_578, %add3A_585 : vector<16xi32>
      %select_n3A_587 = arith.select %lt3A_583, %add3A_586, %select_n3A_578 : vector<16xi1>, vector<16xi32>
      %add3A_588 = arith.constant 512 : i32
      %add3A_589 = vector.broadcast %add3A_588 : i32 to vector<16xi32>
      %add3A_590 = arith.addi %select_n3A_587, %add3A_589 : vector<16xi32>
      %gather3A_591 = tpu.vector_load_idx %arg8[%add3A_590] : memref<1024xf32, #tpu.memory_space<vmem>>[vector<16xi32>], vector<16xf32>,
      %add3A_592 = arith.addf %add3A_527, %gather3A_591 : vector<16xf32>
      %get3A_593 = arith.constant 9 : i32
      %get3A_594 = arith.index_cast %get3A_593 : i32 to index
      %get3A_595 = arith.index_cast %mul3A_10 : i32 to index
      %get3A_596 = tpu.vector_load %arg6[%get3A_594, %get3A_595] {strides = array<i32>} : memref<16x1024xf32, #tpu.memory_space<vmem>>, vector<16xf32>,
      %broadcast_in_dim3A_597 = arith.constant 0 : i32
      %broadcast_in_dim3A_598 = vector.broadcast %broadcast_in_dim3A_597 : i32 to vector<16xi32>
      %add3A_599 = arith.constant 607 : i32
      %add3A_600 = vector.broadcast %add3A_599 : i32 to vector<16xi32>
      %add3A_601 = arith.addi %broadcast_in_dim3A_598, %add3A_600 : vector<16xi32>
      %gather3A_602 = tpu.vector_load_idx %arg7[%add3A_601] : memref<1024xf32, #tpu.memory_space<vmem>>[vector<16xi32>], vector<16xf32>,
      %lt3A_603 = arith.cmpf olt, %gather3A_602, %get3A_596 : vector<16xf32>
      %add3A_604 = arith.constant 32 : i32
      %add3A_605 = vector.broadcast %add3A_604 : i32 to vector<16xi32>
      %add3A_606 = arith.addi %broadcast_in_dim3A_598, %add3A_605 : vector<16xi32>
      %select_n3A_607 = arith.select %lt3A_603, %add3A_606, %broadcast_in_dim3A_598 : vector<16xi1>, vector<16xi32>
      %add3A_608 = arith.constant 591 : i32
      %add3A_609 = vector.broadcast %add3A_608 : i32 to vector<16xi32>
      %add3A_610 = arith.addi %select_n3A_607, %add3A_609 : vector<16xi32>
      %gather3A_611 = tpu.vector_load_idx %arg7[%add3A_610] : memref<1024xf32, #tpu.memory_space<vmem>>[vector<16xi32>], vector<16xf32>,
      %lt3A_612 = arith.cmpf olt, %gather3A_611, %get3A_596 : vector<16xf32>
      %add3A_613 = arith.constant 16 : i32
      %add3A_614 = vector.broadcast %add3A_613 : i32 to vector<16xi32>
      %add3A_615 = arith.addi %select_n3A_607, %add3A_614 : vector<16xi32>
      %select_n3A_616 = arith.select %lt3A_612, %add3A_615, %select_n3A_607 : vector<16xi1>, vector<16xi32>
      %add3A_617 = arith.constant 583 : i32
      %add3A_618 = vector.broadcast %add3A_617 : i32 to vector<16xi32>
      %add3A_619 = arith.addi %select_n3A_616, %add3A_618 : vector<16xi32>
      %gather3A_620 = tpu.vector_load_idx %arg7[%add3A_619] : memref<1024xf32, #tpu.memory_space<vmem>>[vector<16xi32>], vector<16xf32>,
      %lt3A_621 = arith.cmpf olt, %gather3A_620, %get3A_596 : vector<16xf32>
      %add3A_622 = arith.constant 8 : i32
      %add3A_623 = vector.broadcast %add3A_622 : i32 to vector<16xi32>
      %add3A_624 = arith.addi %select_n3A_616, %add3A_623 : vector<16xi32>
      %select_n3A_625 = arith.select %lt3A_621, %add3A_624, %select_n3A_616 : vector<16xi1>, vector<16xi32>
      %add3A_626 = arith.constant 579 : i32
      %add3A_627 = vector.broadcast %add3A_626 : i32 to vector<16xi32>
      %add3A_628 = arith.addi %select_n3A_625, %add3A_627 : vector<16xi32>
      %gather3A_629 = tpu.vector_load_idx %arg7[%add3A_628] : memref<1024xf32, #tpu.memory_space<vmem>>[vector<16xi32>], vector<16xf32>,
      %lt3A_630 = arith.cmpf olt, %gather3A_629, %get3A_596 : vector<16xf32>
      %add3A_631 = arith.constant 4 : i32
      %add3A_632 = vector.broadcast %add3A_631 : i32 to vector<16xi32>
      %add3A_633 = arith.addi %select_n3A_625, %add3A_632 : vector<16xi32>
      %select_n3A_634 = arith.select %lt3A_630, %add3A_633, %select_n3A_625 : vector<16xi1>, vector<16xi32>
      %add3A_635 = arith.constant 577 : i32
      %add3A_636 = vector.broadcast %add3A_635 : i32 to vector<16xi32>
      %add3A_637 = arith.addi %select_n3A_634, %add3A_636 : vector<16xi32>
      %gather3A_638 = tpu.vector_load_idx %arg7[%add3A_637] : memref<1024xf32, #tpu.memory_space<vmem>>[vector<16xi32>], vector<16xf32>,
      %lt3A_639 = arith.cmpf olt, %gather3A_638, %get3A_596 : vector<16xf32>
      %add3A_640 = arith.constant 2 : i32
      %add3A_641 = vector.broadcast %add3A_640 : i32 to vector<16xi32>
      %add3A_642 = arith.addi %select_n3A_634, %add3A_641 : vector<16xi32>
      %select_n3A_643 = arith.select %lt3A_639, %add3A_642, %select_n3A_634 : vector<16xi1>, vector<16xi32>
      %add3A_644 = arith.constant 576 : i32
      %add3A_645 = vector.broadcast %add3A_644 : i32 to vector<16xi32>
      %add3A_646 = arith.addi %select_n3A_643, %add3A_645 : vector<16xi32>
      %gather3A_647 = tpu.vector_load_idx %arg7[%add3A_646] : memref<1024xf32, #tpu.memory_space<vmem>>[vector<16xi32>], vector<16xf32>,
      %lt3A_648 = arith.cmpf olt, %gather3A_647, %get3A_596 : vector<16xf32>
      %add3A_649 = arith.constant 1 : i32
      %add3A_650 = vector.broadcast %add3A_649 : i32 to vector<16xi32>
      %add3A_651 = arith.addi %select_n3A_643, %add3A_650 : vector<16xi32>
      %select_n3A_652 = arith.select %lt3A_648, %add3A_651, %select_n3A_643 : vector<16xi1>, vector<16xi32>
      %add3A_653 = arith.constant 576 : i32
      %add3A_654 = vector.broadcast %add3A_653 : i32 to vector<16xi32>
      %add3A_655 = arith.addi %select_n3A_652, %add3A_654 : vector<16xi32>
      %gather3A_656 = tpu.vector_load_idx %arg8[%add3A_655] : memref<1024xf32, #tpu.memory_space<vmem>>[vector<16xi32>], vector<16xf32>,
      %add3A_657 = arith.addf %add3A_592, %gather3A_656 : vector<16xf32>
      %get3A_658 = arith.constant 10 : i32
      %get3A_659 = arith.index_cast %get3A_658 : i32 to index
      %get3A_660 = arith.index_cast %mul3A_10 : i32 to index
      %get3A_661 = tpu.vector_load %arg6[%get3A_659, %get3A_660] {strides = array<i32>} : memref<16x1024xf32, #tpu.memory_space<vmem>>, vector<16xf32>,
      %broadcast_in_dim3A_662 = arith.constant 0 : i32
      %broadcast_in_dim3A_663 = vector.broadcast %broadcast_in_dim3A_662 : i32 to vector<16xi32>
      %add3A_664 = arith.constant 671 : i32
      %add3A_665 = vector.broadcast %add3A_664 : i32 to vector<16xi32>
      %add3A_666 = arith.addi %broadcast_in_dim3A_663, %add3A_665 : vector<16xi32>
      %gather3A_667 = tpu.vector_load_idx %arg7[%add3A_666] : memref<1024xf32, #tpu.memory_space<vmem>>[vector<16xi32>], vector<16xf32>,
      %lt3A_668 = arith.cmpf olt, %gather3A_667, %get3A_661 : vector<16xf32>
      %add3A_669 = arith.constant 32 : i32
      %add3A_670 = vector.broadcast %add3A_669 : i32 to vector<16xi32>
      %add3A_671 = arith.addi %broadcast_in_dim3A_663, %add3A_670 : vector<16xi32>
      %select_n3A_672 = arith.select %lt3A_668, %add3A_671, %broadcast_in_dim3A_663 : vector<16xi1>, vector<16xi32>
      %add3A_673 = arith.constant 655 : i32
      %add3A_674 = vector.broadcast %add3A_673 : i32 to vector<16xi32>
      %add3A_675 = arith.addi %select_n3A_672, %add3A_674 : vector<16xi32>
      %gather3A_676 = tpu.vector_load_idx %arg7[%add3A_675] : memref<1024xf32, #tpu.memory_space<vmem>>[vector<16xi32>], vector<16xf32>,
      %lt3A_677 = arith.cmpf olt, %gather3A_676, %get3A_661 : vector<16xf32>
      %add3A_678 = arith.constant 16 : i32
      %add3A_679 = vector.broadcast %add3A_678 : i32 to vector<16xi32>
      %add3A_680 = arith.addi %select_n3A_672, %add3A_679 : vector<16xi32>
      %select_n3A_681 = arith.select %lt3A_677, %add3A_680, %select_n3A_672 : vector<16xi1>, vector<16xi32>
      %add3A_682 = arith.constant 647 : i32
      %add3A_683 = vector.broadcast %add3A_682 : i32 to vector<16xi32>
      %add3A_684 = arith.addi %select_n3A_681, %add3A_683 : vector<16xi32>
      %gather3A_685 = tpu.vector_load_idx %arg7[%add3A_684] : memref<1024xf32, #tpu.memory_space<vmem>>[vector<16xi32>], vector<16xf32>,
      %lt3A_686 = arith.cmpf olt, %gather3A_685, %get3A_661 : vector<16xf32>
      %add3A_687 = arith.constant 8 : i32
      %add3A_688 = vector.broadcast %add3A_687 : i32 to vector<16xi32>
      %add3A_689 = arith.addi %select_n3A_681, %add3A_688 : vector<16xi32>
      %select_n3A_690 = arith.select %lt3A_686, %add3A_689, %select_n3A_681 : vector<16xi1>, vector<16xi32>
      %add3A_691 = arith.constant 643 : i32
      %add3A_692 = vector.broadcast %add3A_691 : i32 to vector<16xi32>
      %add3A_693 = arith.addi %select_n3A_690, %add3A_692 : vector<16xi32>
      %gather3A_694 = tpu.vector_load_idx %arg7[%add3A_693] : memref<1024xf32, #tpu.memory_space<vmem>>[vector<16xi32>], vector<16xf32>,
      %lt3A_695 = arith.cmpf olt, %gather3A_694, %get3A_661 : vector<16xf32>
      %add3A_696 = arith.constant 4 : i32
      %add3A_697 = vector.broadcast %add3A_696 : i32 to vector<16xi32>
      %add3A_698 = arith.addi %select_n3A_690, %add3A_697 : vector<16xi32>
      %select_n3A_699 = arith.select %lt3A_695, %add3A_698, %select_n3A_690 : vector<16xi1>, vector<16xi32>
      %add3A_700 = arith.constant 641 : i32
      %add3A_701 = vector.broadcast %add3A_700 : i32 to vector<16xi32>
      %add3A_702 = arith.addi %select_n3A_699, %add3A_701 : vector<16xi32>
      %gather3A_703 = tpu.vector_load_idx %arg7[%add3A_702] : memref<1024xf32, #tpu.memory_space<vmem>>[vector<16xi32>], vector<16xf32>,
      %lt3A_704 = arith.cmpf olt, %gather3A_703, %get3A_661 : vector<16xf32>
      %add3A_705 = arith.constant 2 : i32
      %add3A_706 = vector.broadcast %add3A_705 : i32 to vector<16xi32>
      %add3A_707 = arith.addi %select_n3A_699, %add3A_706 : vector<16xi32>
      %select_n3A_708 = arith.select %lt3A_704, %add3A_707, %select_n3A_699 : vector<16xi1>, vector<16xi32>
      %add3A_709 = arith.constant 640 : i32
      %add3A_710 = vector.broadcast %add3A_709 : i32 to vector<16xi32>
      %add3A_711 = arith.addi %select_n3A_708, %add3A_710 : vector<16xi32>
      %gather3A_712 = tpu.vector_load_idx %arg7[%add3A_711] : memref<1024xf32, #tpu.memory_space<vmem>>[vector<16xi32>], vector<16xf32>,
      %lt3A_713 = arith.cmpf olt, %gather3A_712, %get3A_661 : vector<16xf32>
      %add3A_714 = arith.constant 1 : i32
      %add3A_715 = vector.broadcast %add3A_714 : i32 to vector<16xi32>
      %add3A_716 = arith.addi %select_n3A_708, %add3A_715 : vector<16xi32>
      %select_n3A_717 = arith.select %lt3A_713, %add3A_716, %select_n3A_708 : vector<16xi1>, vector<16xi32>
      %add3A_718 = arith.constant 640 : i32
      %add3A_719 = vector.broadcast %add3A_718 : i32 to vector<16xi32>
      %add3A_720 = arith.addi %select_n3A_717, %add3A_719 : vector<16xi32>
      %gather3A_721 = tpu.vector_load_idx %arg8[%add3A_720] : memref<1024xf32, #tpu.memory_space<vmem>>[vector<16xi32>], vector<16xf32>,
      %add3A_722 = arith.addf %add3A_657, %gather3A_721 : vector<16xf32>
      %get3A_723 = arith.constant 11 : i32
      %get3A_724 = arith.index_cast %get3A_723 : i32 to index
      %get3A_725 = arith.index_cast %mul3A_10 : i32 to index
      %get3A_726 = tpu.vector_load %arg6[%get3A_724, %get3A_725] {strides = array<i32>} : memref<16x1024xf32, #tpu.memory_space<vmem>>, vector<16xf32>,
      %broadcast_in_dim3A_727 = arith.constant 0 : i32
      %broadcast_in_dim3A_728 = vector.broadcast %broadcast_in_dim3A_727 : i32 to vector<16xi32>
      %add3A_729 = arith.constant 735 : i32
      %add3A_730 = vector.broadcast %add3A_729 : i32 to vector<16xi32>
      %add3A_731 = arith.addi %broadcast_in_dim3A_728, %add3A_730 : vector<16xi32>
      %gather3A_732 = tpu.vector_load_idx %arg7[%add3A_731] : memref<1024xf32, #tpu.memory_space<vmem>>[vector<16xi32>], vector<16xf32>,
      %lt3A_733 = arith.cmpf olt, %gather3A_732, %get3A_726 : vector<16xf32>
      %add3A_734 = arith.constant 32 : i32
      %add3A_735 = vector.broadcast %add3A_734 : i32 to vector<16xi32>
      %add3A_736 = arith.addi %broadcast_in_dim3A_728, %add3A_735 : vector<16xi32>
      %select_n3A_737 = arith.select %lt3A_733, %add3A_736, %broadcast_in_dim3A_728 : vector<16xi1>, vector<16xi32>
      %add3A_738 = arith.constant 719 : i32
      %add3A_739 = vector.broadcast %add3A_738 : i32 to vector<16xi32>
      %add3A_740 = arith.addi %select_n3A_737, %add3A_739 : vector<16xi32>
      %gather3A_741 = tpu.vector_load_idx %arg7[%add3A_740] : memref<1024xf32, #tpu.memory_space<vmem>>[vector<16xi32>], vector<16xf32>,
      %lt3A_742 = arith.cmpf olt, %gather3A_741, %get3A_726 : vector<16xf32>
      %add3A_743 = arith.constant 16 : i32
      %add3A_744 = vector.broadcast %add3A_743 : i32 to vector<16xi32>
      %add3A_745 = arith.addi %select_n3A_737, %add3A_744 : vector<16xi32>
      %select_n3A_746 = arith.select %lt3A_742, %add3A_745, %select_n3A_737 : vector<16xi1>, vector<16xi32>
      %add3A_747 = arith.constant 711 : i32
      %add3A_748 = vector.broadcast %add3A_747 : i32 to vector<16xi32>
      %add3A_749 = arith.addi %select_n3A_746, %add3A_748 : vector<16xi32>
      %gather3A_750 = tpu.vector_load_idx %arg7[%add3A_749] : memref<1024xf32, #tpu.memory_space<vmem>>[vector<16xi32>], vector<16xf32>,
      %lt3A_751 = arith.cmpf olt, %gather3A_750, %get3A_726 : vector<16xf32>
      %add3A_752 = arith.constant 8 : i32
      %add3A_753 = vector.broadcast %add3A_752 : i32 to vector<16xi32>
      %add3A_754 = arith.addi %select_n3A_746, %add3A_753 : vector<16xi32>
      %select_n3A_755 = arith.select %lt3A_751, %add3A_754, %select_n3A_746 : vector<16xi1>, vector<16xi32>
      %add3A_756 = arith.constant 707 : i32
      %add3A_757 = vector.broadcast %add3A_756 : i32 to vector<16xi32>
      %add3A_758 = arith.addi %select_n3A_755, %add3A_757 : vector<16xi32>
      %gather3A_759 = tpu.vector_load_idx %arg7[%add3A_758] : memref<1024xf32, #tpu.memory_space<vmem>>[vector<16xi32>], vector<16xf32>,
      %lt3A_760 = arith.cmpf olt, %gather3A_759, %get3A_726 : vector<16xf32>
      %add3A_761 = arith.constant 4 : i32
      %add3A_762 = vector.broadcast %add3A_761 : i32 to vector<16xi32>
      %add3A_763 = arith.addi %select_n3A_755, %add3A_762 : vector<16xi32>
      %select_n3A_764 = arith.select %lt3A_760, %add3A_763, %select_n3A_755 : vector<16xi1>, vector<16xi32>
      %add3A_765 = arith.constant 705 : i32
      %add3A_766 = vector.broadcast %add3A_765 : i32 to vector<16xi32>
      %add3A_767 = arith.addi %select_n3A_764, %add3A_766 : vector<16xi32>
      %gather3A_768 = tpu.vector_load_idx %arg7[%add3A_767] : memref<1024xf32, #tpu.memory_space<vmem>>[vector<16xi32>], vector<16xf32>,
      %lt3A_769 = arith.cmpf olt, %gather3A_768, %get3A_726 : vector<16xf32>
      %add3A_770 = arith.constant 2 : i32
      %add3A_771 = vector.broadcast %add3A_770 : i32 to vector<16xi32>
      %add3A_772 = arith.addi %select_n3A_764, %add3A_771 : vector<16xi32>
      %select_n3A_773 = arith.select %lt3A_769, %add3A_772, %select_n3A_764 : vector<16xi1>, vector<16xi32>
      %add3A_774 = arith.constant 704 : i32
      %add3A_775 = vector.broadcast %add3A_774 : i32 to vector<16xi32>
      %add3A_776 = arith.addi %select_n3A_773, %add3A_775 : vector<16xi32>
      %gather3A_777 = tpu.vector_load_idx %arg7[%add3A_776] : memref<1024xf32, #tpu.memory_space<vmem>>[vector<16xi32>], vector<16xf32>,
      %lt3A_778 = arith.cmpf olt, %gather3A_777, %get3A_726 : vector<16xf32>
      %add3A_779 = arith.constant 1 : i32
      %add3A_780 = vector.broadcast %add3A_779 : i32 to vector<16xi32>
      %add3A_781 = arith.addi %select_n3A_773, %add3A_780 : vector<16xi32>
      %select_n3A_782 = arith.select %lt3A_778, %add3A_781, %select_n3A_773 : vector<16xi1>, vector<16xi32>
      %add3A_783 = arith.constant 704 : i32
      %add3A_784 = vector.broadcast %add3A_783 : i32 to vector<16xi32>
      %add3A_785 = arith.addi %select_n3A_782, %add3A_784 : vector<16xi32>
      %gather3A_786 = tpu.vector_load_idx %arg8[%add3A_785] : memref<1024xf32, #tpu.memory_space<vmem>>[vector<16xi32>], vector<16xf32>,
      %add3A_787 = arith.addf %add3A_722, %gather3A_786 : vector<16xf32>
      %get3A_788 = arith.constant 12 : i32
      %get3A_789 = arith.index_cast %get3A_788 : i32 to index
      %get3A_790 = arith.index_cast %mul3A_10 : i32 to index
      %get3A_791 = tpu.vector_load %arg6[%get3A_789, %get3A_790] {strides = array<i32>} : memref<16x1024xf32, #tpu.memory_space<vmem>>, vector<16xf32>,
      %broadcast_in_dim3A_792 = arith.constant 0 : i32
      %broadcast_in_dim3A_793 = vector.broadcast %broadcast_in_dim3A_792 : i32 to vector<16xi32>
      %add3A_794 = arith.constant 799 : i32
      %add3A_795 = vector.broadcast %add3A_794 : i32 to vector<16xi32>
      %add3A_796 = arith.addi %broadcast_in_dim3A_793, %add3A_795 : vector<16xi32>
      %gather3A_797 = tpu.vector_load_idx %arg7[%add3A_796] : memref<1024xf32, #tpu.memory_space<vmem>>[vector<16xi32>], vector<16xf32>,
      %lt3A_798 = arith.cmpf olt, %gather3A_797, %get3A_791 : vector<16xf32>
      %add3A_799 = arith.constant 32 : i32
      %add3A_800 = vector.broadcast %add3A_799 : i32 to vector<16xi32>
      %add3A_801 = arith.addi %broadcast_in_dim3A_793, %add3A_800 : vector<16xi32>
      %select_n3A_802 = arith.select %lt3A_798, %add3A_801, %broadcast_in_dim3A_793 : vector<16xi1>, vector<16xi32>
      %add3A_803 = arith.constant 783 : i32
      %add3A_804 = vector.broadcast %add3A_803 : i32 to vector<16xi32>
      %add3A_805 = arith.addi %select_n3A_802, %add3A_804 : vector<16xi32>
      %gather3A_806 = tpu.vector_load_idx %arg7[%add3A_805] : memref<1024xf32, #tpu.memory_space<vmem>>[vector<16xi32>], vector<16xf32>,
      %lt3A_807 = arith.cmpf olt, %gather3A_806, %get3A_791 : vector<16xf32>
      %add3A_808 = arith.constant 16 : i32
      %add3A_809 = vector.broadcast %add3A_808 : i32 to vector<16xi32>
      %add3A_810 = arith.addi %select_n3A_802, %add3A_809 : vector<16xi32>
      %select_n3A_811 = arith.select %lt3A_807, %add3A_810, %select_n3A_802 : vector<16xi1>, vector<16xi32>
      %add3A_812 = arith.constant 775 : i32
      %add3A_813 = vector.broadcast %add3A_812 : i32 to vector<16xi32>
      %add3A_814 = arith.addi %select_n3A_811, %add3A_813 : vector<16xi32>
      %gather3A_815 = tpu.vector_load_idx %arg7[%add3A_814] : memref<1024xf32, #tpu.memory_space<vmem>>[vector<16xi32>], vector<16xf32>,
      %lt3A_816 = arith.cmpf olt, %gather3A_815, %get3A_791 : vector<16xf32>
      %add3A_817 = arith.constant 8 : i32
      %add3A_818 = vector.broadcast %add3A_817 : i32 to vector<16xi32>
      %add3A_819 = arith.addi %select_n3A_811, %add3A_818 : vector<16xi32>
      %select_n3A_820 = arith.select %lt3A_816, %add3A_819, %select_n3A_811 : vector<16xi1>, vector<16xi32>
      %add3A_821 = arith.constant 771 : i32
      %add3A_822 = vector.broadcast %add3A_821 : i32 to vector<16xi32>
      %add3A_823 = arith.addi %select_n3A_820, %add3A_822 : vector<16xi32>
      %gather3A_824 = tpu.vector_load_idx %arg7[%add3A_823] : memref<1024xf32, #tpu.memory_space<vmem>>[vector<16xi32>], vector<16xf32>,
      %lt3A_825 = arith.cmpf olt, %gather3A_824, %get3A_791 : vector<16xf32>
      %add3A_826 = arith.constant 4 : i32
      %add3A_827 = vector.broadcast %add3A_826 : i32 to vector<16xi32>
      %add3A_828 = arith.addi %select_n3A_820, %add3A_827 : vector<16xi32>
      %select_n3A_829 = arith.select %lt3A_825, %add3A_828, %select_n3A_820 : vector<16xi1>, vector<16xi32>
      %add3A_830 = arith.constant 769 : i32
      %add3A_831 = vector.broadcast %add3A_830 : i32 to vector<16xi32>
      %add3A_832 = arith.addi %select_n3A_829, %add3A_831 : vector<16xi32>
      %gather3A_833 = tpu.vector_load_idx %arg7[%add3A_832] : memref<1024xf32, #tpu.memory_space<vmem>>[vector<16xi32>], vector<16xf32>,
      %lt3A_834 = arith.cmpf olt, %gather3A_833, %get3A_791 : vector<16xf32>
      %add3A_835 = arith.constant 2 : i32
      %add3A_836 = vector.broadcast %add3A_835 : i32 to vector<16xi32>
      %add3A_837 = arith.addi %select_n3A_829, %add3A_836 : vector<16xi32>
      %select_n3A_838 = arith.select %lt3A_834, %add3A_837, %select_n3A_829 : vector<16xi1>, vector<16xi32>
      %add3A_839 = arith.constant 768 : i32
      %add3A_840 = vector.broadcast %add3A_839 : i32 to vector<16xi32>
      %add3A_841 = arith.addi %select_n3A_838, %add3A_840 : vector<16xi32>
      %gather3A_842 = tpu.vector_load_idx %arg7[%add3A_841] : memref<1024xf32, #tpu.memory_space<vmem>>[vector<16xi32>], vector<16xf32>,
      %lt3A_843 = arith.cmpf olt, %gather3A_842, %get3A_791 : vector<16xf32>
      %add3A_844 = arith.constant 1 : i32
      %add3A_845 = vector.broadcast %add3A_844 : i32 to vector<16xi32>
      %add3A_846 = arith.addi %select_n3A_838, %add3A_845 : vector<16xi32>
      %select_n3A_847 = arith.select %lt3A_843, %add3A_846, %select_n3A_838 : vector<16xi1>, vector<16xi32>
      %add3A_848 = arith.constant 768 : i32
      %add3A_849 = vector.broadcast %add3A_848 : i32 to vector<16xi32>
      %add3A_850 = arith.addi %select_n3A_847, %add3A_849 : vector<16xi32>
      %gather3A_851 = tpu.vector_load_idx %arg8[%add3A_850] : memref<1024xf32, #tpu.memory_space<vmem>>[vector<16xi32>], vector<16xf32>,
      %add3A_852 = arith.addf %add3A_787, %gather3A_851 : vector<16xf32>
      %get3A_853 = arith.constant 13 : i32
      %get3A_854 = arith.index_cast %get3A_853 : i32 to index
      %get3A_855 = arith.index_cast %mul3A_10 : i32 to index
      %get3A_856 = tpu.vector_load %arg6[%get3A_854, %get3A_855] {strides = array<i32>} : memref<16x1024xf32, #tpu.memory_space<vmem>>, vector<16xf32>,
      %broadcast_in_dim3A_857 = arith.constant 0 : i32
      %broadcast_in_dim3A_858 = vector.broadcast %broadcast_in_dim3A_857 : i32 to vector<16xi32>
      %add3A_859 = arith.constant 863 : i32
      %add3A_860 = vector.broadcast %add3A_859 : i32 to vector<16xi32>
      %add3A_861 = arith.addi %broadcast_in_dim3A_858, %add3A_860 : vector<16xi32>
      %gather3A_862 = tpu.vector_load_idx %arg7[%add3A_861] : memref<1024xf32, #tpu.memory_space<vmem>>[vector<16xi32>], vector<16xf32>,
      %lt3A_863 = arith.cmpf olt, %gather3A_862, %get3A_856 : vector<16xf32>
      %add3A_864 = arith.constant 32 : i32
      %add3A_865 = vector.broadcast %add3A_864 : i32 to vector<16xi32>
      %add3A_866 = arith.addi %broadcast_in_dim3A_858, %add3A_865 : vector<16xi32>
      %select_n3A_867 = arith.select %lt3A_863, %add3A_866, %broadcast_in_dim3A_858 : vector<16xi1>, vector<16xi32>
      %add3A_868 = arith.constant 847 : i32
      %add3A_869 = vector.broadcast %add3A_868 : i32 to vector<16xi32>
      %add3A_870 = arith.addi %select_n3A_867, %add3A_869 : vector<16xi32>
      %gather3A_871 = tpu.vector_load_idx %arg7[%add3A_870] : memref<1024xf32, #tpu.memory_space<vmem>>[vector<16xi32>], vector<16xf32>,
      %lt3A_872 = arith.cmpf olt, %gather3A_871, %get3A_856 : vector<16xf32>
      %add3A_873 = arith.constant 16 : i32
      %add3A_874 = vector.broadcast %add3A_873 : i32 to vector<16xi32>
      %add3A_875 = arith.addi %select_n3A_867, %add3A_874 : vector<16xi32>
      %select_n3A_876 = arith.select %lt3A_872, %add3A_875, %select_n3A_867 : vector<16xi1>, vector<16xi32>
      %add3A_877 = arith.constant 839 : i32
      %add3A_878 = vector.broadcast %add3A_877 : i32 to vector<16xi32>
      %add3A_879 = arith.addi %select_n3A_876, %add3A_878 : vector<16xi32>
      %gather3A_880 = tpu.vector_load_idx %arg7[%add3A_879] : memref<1024xf32, #tpu.memory_space<vmem>>[vector<16xi32>], vector<16xf32>,
      %lt3A_881 = arith.cmpf olt, %gather3A_880, %get3A_856 : vector<16xf32>
      %add3A_882 = arith.constant 8 : i32
      %add3A_883 = vector.broadcast %add3A_882 : i32 to vector<16xi32>
      %add3A_884 = arith.addi %select_n3A_876, %add3A_883 : vector<16xi32>
      %select_n3A_885 = arith.select %lt3A_881, %add3A_884, %select_n3A_876 : vector<16xi1>, vector<16xi32>
      %add3A_886 = arith.constant 835 : i32
      %add3A_887 = vector.broadcast %add3A_886 : i32 to vector<16xi32>
      %add3A_888 = arith.addi %select_n3A_885, %add3A_887 : vector<16xi32>
      %gather3A_889 = tpu.vector_load_idx %arg7[%add3A_888] : memref<1024xf32, #tpu.memory_space<vmem>>[vector<16xi32>], vector<16xf32>,
      %lt3A_890 = arith.cmpf olt, %gather3A_889, %get3A_856 : vector<16xf32>
      %add3A_891 = arith.constant 4 : i32
      %add3A_892 = vector.broadcast %add3A_891 : i32 to vector<16xi32>
      %add3A_893 = arith.addi %select_n3A_885, %add3A_892 : vector<16xi32>
      %select_n3A_894 = arith.select %lt3A_890, %add3A_893, %select_n3A_885 : vector<16xi1>, vector<16xi32>
      %add3A_895 = arith.constant 833 : i32
      %add3A_896 = vector.broadcast %add3A_895 : i32 to vector<16xi32>
      %add3A_897 = arith.addi %select_n3A_894, %add3A_896 : vector<16xi32>
      %gather3A_898 = tpu.vector_load_idx %arg7[%add3A_897] : memref<1024xf32, #tpu.memory_space<vmem>>[vector<16xi32>], vector<16xf32>,
      %lt3A_899 = arith.cmpf olt, %gather3A_898, %get3A_856 : vector<16xf32>
      %add3A_900 = arith.constant 2 : i32
      %add3A_901 = vector.broadcast %add3A_900 : i32 to vector<16xi32>
      %add3A_902 = arith.addi %select_n3A_894, %add3A_901 : vector<16xi32>
      %select_n3A_903 = arith.select %lt3A_899, %add3A_902, %select_n3A_894 : vector<16xi1>, vector<16xi32>
      %add3A_904 = arith.constant 832 : i32
      %add3A_905 = vector.broadcast %add3A_904 : i32 to vector<16xi32>
      %add3A_906 = arith.addi %select_n3A_903, %add3A_905 : vector<16xi32>
      %gather3A_907 = tpu.vector_load_idx %arg7[%add3A_906] : memref<1024xf32, #tpu.memory_space<vmem>>[vector<16xi32>], vector<16xf32>,
      %lt3A_908 = arith.cmpf olt, %gather3A_907, %get3A_856 : vector<16xf32>
      %add3A_909 = arith.constant 1 : i32
      %add3A_910 = vector.broadcast %add3A_909 : i32 to vector<16xi32>
      %add3A_911 = arith.addi %select_n3A_903, %add3A_910 : vector<16xi32>
      %select_n3A_912 = arith.select %lt3A_908, %add3A_911, %select_n3A_903 : vector<16xi1>, vector<16xi32>
      %add3A_913 = arith.constant 832 : i32
      %add3A_914 = vector.broadcast %add3A_913 : i32 to vector<16xi32>
      %add3A_915 = arith.addi %select_n3A_912, %add3A_914 : vector<16xi32>
      %gather3A_916 = tpu.vector_load_idx %arg8[%add3A_915] : memref<1024xf32, #tpu.memory_space<vmem>>[vector<16xi32>], vector<16xf32>,
      %add3A_917 = arith.addf %add3A_852, %gather3A_916 : vector<16xf32>
      %get3A_918 = arith.constant 14 : i32
      %get3A_919 = arith.index_cast %get3A_918 : i32 to index
      %get3A_920 = arith.index_cast %mul3A_10 : i32 to index
      %get3A_921 = tpu.vector_load %arg6[%get3A_919, %get3A_920] {strides = array<i32>} : memref<16x1024xf32, #tpu.memory_space<vmem>>, vector<16xf32>,
      %broadcast_in_dim3A_922 = arith.constant 0 : i32
      %broadcast_in_dim3A_923 = vector.broadcast %broadcast_in_dim3A_922 : i32 to vector<16xi32>
      %add3A_924 = arith.constant 927 : i32
      %add3A_925 = vector.broadcast %add3A_924 : i32 to vector<16xi32>
      %add3A_926 = arith.addi %broadcast_in_dim3A_923, %add3A_925 : vector<16xi32>
      %gather3A_927 = tpu.vector_load_idx %arg7[%add3A_926] : memref<1024xf32, #tpu.memory_space<vmem>>[vector<16xi32>], vector<16xf32>,
      %lt3A_928 = arith.cmpf olt, %gather3A_927, %get3A_921 : vector<16xf32>
      %add3A_929 = arith.constant 32 : i32
      %add3A_930 = vector.broadcast %add3A_929 : i32 to vector<16xi32>
      %add3A_931 = arith.addi %broadcast_in_dim3A_923, %add3A_930 : vector<16xi32>
      %select_n3A_932 = arith.select %lt3A_928, %add3A_931, %broadcast_in_dim3A_923 : vector<16xi1>, vector<16xi32>
      %add3A_933 = arith.constant 911 : i32
      %add3A_934 = vector.broadcast %add3A_933 : i32 to vector<16xi32>
      %add3A_935 = arith.addi %select_n3A_932, %add3A_934 : vector<16xi32>
      %gather3A_936 = tpu.vector_load_idx %arg7[%add3A_935] : memref<1024xf32, #tpu.memory_space<vmem>>[vector<16xi32>], vector<16xf32>,
      %lt3A_937 = arith.cmpf olt, %gather3A_936, %get3A_921 : vector<16xf32>
      %add3A_938 = arith.constant 16 : i32
      %add3A_939 = vector.broadcast %add3A_938 : i32 to vector<16xi32>
      %add3A_940 = arith.addi %select_n3A_932, %add3A_939 : vector<16xi32>
      %select_n3A_941 = arith.select %lt3A_937, %add3A_940, %select_n3A_932 : vector<16xi1>, vector<16xi32>
      %add3A_942 = arith.constant 903 : i32
      %add3A_943 = vector.broadcast %add3A_942 : i32 to vector<16xi32>
      %add3A_944 = arith.addi %select_n3A_941, %add3A_943 : vector<16xi32>
      %gather3A_945 = tpu.vector_load_idx %arg7[%add3A_944] : memref<1024xf32, #tpu.memory_space<vmem>>[vector<16xi32>], vector<16xf32>,
      %lt3A_946 = arith.cmpf olt, %gather3A_945, %get3A_921 : vector<16xf32>
      %add3A_947 = arith.constant 8 : i32
      %add3A_948 = vector.broadcast %add3A_947 : i32 to vector<16xi32>
      %add3A_949 = arith.addi %select_n3A_941, %add3A_948 : vector<16xi32>
      %select_n3A_950 = arith.select %lt3A_946, %add3A_949, %select_n3A_941 : vector<16xi1>, vector<16xi32>
      %add3A_951 = arith.constant 899 : i32
      %add3A_952 = vector.broadcast %add3A_951 : i32 to vector<16xi32>
      %add3A_953 = arith.addi %select_n3A_950, %add3A_952 : vector<16xi32>
      %gather3A_954 = tpu.vector_load_idx %arg7[%add3A_953] : memref<1024xf32, #tpu.memory_space<vmem>>[vector<16xi32>], vector<16xf32>,
      %lt3A_955 = arith.cmpf olt, %gather3A_954, %get3A_921 : vector<16xf32>
      %add3A_956 = arith.constant 4 : i32
      %add3A_957 = vector.broadcast %add3A_956 : i32 to vector<16xi32>
      %add3A_958 = arith.addi %select_n3A_950, %add3A_957 : vector<16xi32>
      %select_n3A_959 = arith.select %lt3A_955, %add3A_958, %select_n3A_950 : vector<16xi1>, vector<16xi32>
      %add3A_960 = arith.constant 897 : i32
      %add3A_961 = vector.broadcast %add3A_960 : i32 to vector<16xi32>
      %add3A_962 = arith.addi %select_n3A_959, %add3A_961 : vector<16xi32>
      %gather3A_963 = tpu.vector_load_idx %arg7[%add3A_962] : memref<1024xf32, #tpu.memory_space<vmem>>[vector<16xi32>], vector<16xf32>,
      %lt3A_964 = arith.cmpf olt, %gather3A_963, %get3A_921 : vector<16xf32>
      %add3A_965 = arith.constant 2 : i32
      %add3A_966 = vector.broadcast %add3A_965 : i32 to vector<16xi32>
      %add3A_967 = arith.addi %select_n3A_959, %add3A_966 : vector<16xi32>
      %select_n3A_968 = arith.select %lt3A_964, %add3A_967, %select_n3A_959 : vector<16xi1>, vector<16xi32>
      %add3A_969 = arith.constant 896 : i32
      %add3A_970 = vector.broadcast %add3A_969 : i32 to vector<16xi32>
      %add3A_971 = arith.addi %select_n3A_968, %add3A_970 : vector<16xi32>
      %gather3A_972 = tpu.vector_load_idx %arg7[%add3A_971] : memref<1024xf32, #tpu.memory_space<vmem>>[vector<16xi32>], vector<16xf32>,
      %lt3A_973 = arith.cmpf olt, %gather3A_972, %get3A_921 : vector<16xf32>
      %add3A_974 = arith.constant 1 : i32
      %add3A_975 = vector.broadcast %add3A_974 : i32 to vector<16xi32>
      %add3A_976 = arith.addi %select_n3A_968, %add3A_975 : vector<16xi32>
      %select_n3A_977 = arith.select %lt3A_973, %add3A_976, %select_n3A_968 : vector<16xi1>, vector<16xi32>
      %add3A_978 = arith.constant 896 : i32
      %add3A_979 = vector.broadcast %add3A_978 : i32 to vector<16xi32>
      %add3A_980 = arith.addi %select_n3A_977, %add3A_979 : vector<16xi32>
      %gather3A_981 = tpu.vector_load_idx %arg8[%add3A_980] : memref<1024xf32, #tpu.memory_space<vmem>>[vector<16xi32>], vector<16xf32>,
      %add3A_982 = arith.addf %add3A_917, %gather3A_981 : vector<16xf32>
      %get3A_983 = arith.constant 15 : i32
      %get3A_984 = arith.index_cast %get3A_983 : i32 to index
      %get3A_985 = arith.index_cast %mul3A_10 : i32 to index
      %get3A_986 = tpu.vector_load %arg6[%get3A_984, %get3A_985] {strides = array<i32>} : memref<16x1024xf32, #tpu.memory_space<vmem>>, vector<16xf32>,
      %broadcast_in_dim3A_987 = arith.constant 0 : i32
      %broadcast_in_dim3A_988 = vector.broadcast %broadcast_in_dim3A_987 : i32 to vector<16xi32>
      %add3A_989 = arith.constant 991 : i32
      %add3A_990 = vector.broadcast %add3A_989 : i32 to vector<16xi32>
      %add3A_991 = arith.addi %broadcast_in_dim3A_988, %add3A_990 : vector<16xi32>
      %gather3A_992 = tpu.vector_load_idx %arg7[%add3A_991] : memref<1024xf32, #tpu.memory_space<vmem>>[vector<16xi32>], vector<16xf32>,
      %lt3A_993 = arith.cmpf olt, %gather3A_992, %get3A_986 : vector<16xf32>
      %add3A_994 = arith.constant 32 : i32
      %add3A_995 = vector.broadcast %add3A_994 : i32 to vector<16xi32>
      %add3A_996 = arith.addi %broadcast_in_dim3A_988, %add3A_995 : vector<16xi32>
      %select_n3A_997 = arith.select %lt3A_993, %add3A_996, %broadcast_in_dim3A_988 : vector<16xi1>, vector<16xi32>
      %add3A_998 = arith.constant 975 : i32
      %add3A_999 = vector.broadcast %add3A_998 : i32 to vector<16xi32>
      %add3A_1000 = arith.addi %select_n3A_997, %add3A_999 : vector<16xi32>
      %gather3A_1001 = tpu.vector_load_idx %arg7[%add3A_1000] : memref<1024xf32, #tpu.memory_space<vmem>>[vector<16xi32>], vector<16xf32>,
      %lt3A_1002 = arith.cmpf olt, %gather3A_1001, %get3A_986 : vector<16xf32>
      %add3A_1003 = arith.constant 16 : i32
      %add3A_1004 = vector.broadcast %add3A_1003 : i32 to vector<16xi32>
      %add3A_1005 = arith.addi %select_n3A_997, %add3A_1004 : vector<16xi32>
      %select_n3A_1006 = arith.select %lt3A_1002, %add3A_1005, %select_n3A_997 : vector<16xi1>, vector<16xi32>
      %add3A_1007 = arith.constant 967 : i32
      %add3A_1008 = vector.broadcast %add3A_1007 : i32 to vector<16xi32>
      %add3A_1009 = arith.addi %select_n3A_1006, %add3A_1008 : vector<16xi32>
      %gather3A_1010 = tpu.vector_load_idx %arg7[%add3A_1009] : memref<1024xf32, #tpu.memory_space<vmem>>[vector<16xi32>], vector<16xf32>,
      %lt3A_1011 = arith.cmpf olt, %gather3A_1010, %get3A_986 : vector<16xf32>
      %add3A_1012 = arith.constant 8 : i32
      %add3A_1013 = vector.broadcast %add3A_1012 : i32 to vector<16xi32>
      %add3A_1014 = arith.addi %select_n3A_1006, %add3A_1013 : vector<16xi32>
      %select_n3A_1015 = arith.select %lt3A_1011, %add3A_1014, %select_n3A_1006 : vector<16xi1>, vector<16xi32>
      %add3A_1016 = arith.constant 963 : i32
      %add3A_1017 = vector.broadcast %add3A_1016 : i32 to vector<16xi32>
      %add3A_1018 = arith.addi %select_n3A_1015, %add3A_1017 : vector<16xi32>
      %gather3A_1019 = tpu.vector_load_idx %arg7[%add3A_1018] : memref<1024xf32, #tpu.memory_space<vmem>>[vector<16xi32>], vector<16xf32>,
      %lt3A_1020 = arith.cmpf olt, %gather3A_1019, %get3A_986 : vector<16xf32>
      %add3A_1021 = arith.constant 4 : i32
      %add3A_1022 = vector.broadcast %add3A_1021 : i32 to vector<16xi32>
      %add3A_1023 = arith.addi %select_n3A_1015, %add3A_1022 : vector<16xi32>
      %select_n3A_1024 = arith.select %lt3A_1020, %add3A_1023, %select_n3A_1015 : vector<16xi1>, vector<16xi32>
      %add3A_1025 = arith.constant 961 : i32
      %add3A_1026 = vector.broadcast %add3A_1025 : i32 to vector<16xi32>
      %add3A_1027 = arith.addi %select_n3A_1024, %add3A_1026 : vector<16xi32>
      %gather3A_1028 = tpu.vector_load_idx %arg7[%add3A_1027] : memref<1024xf32, #tpu.memory_space<vmem>>[vector<16xi32>], vector<16xf32>,
      %lt3A_1029 = arith.cmpf olt, %gather3A_1028, %get3A_986 : vector<16xf32>
      %add3A_1030 = arith.constant 2 : i32
      %add3A_1031 = vector.broadcast %add3A_1030 : i32 to vector<16xi32>
      %add3A_1032 = arith.addi %select_n3A_1024, %add3A_1031 : vector<16xi32>
      %select_n3A_1033 = arith.select %lt3A_1029, %add3A_1032, %select_n3A_1024 : vector<16xi1>, vector<16xi32>
      %add3A_1034 = arith.constant 960 : i32
      %add3A_1035 = vector.broadcast %add3A_1034 : i32 to vector<16xi32>
      %add3A_1036 = arith.addi %select_n3A_1033, %add3A_1035 : vector<16xi32>
      %gather3A_1037 = tpu.vector_load_idx %arg7[%add3A_1036] : memref<1024xf32, #tpu.memory_space<vmem>>[vector<16xi32>], vector<16xf32>,
      %lt3A_1038 = arith.cmpf olt, %gather3A_1037, %get3A_986 : vector<16xf32>
      %add3A_1039 = arith.constant 1 : i32
      %add3A_1040 = vector.broadcast %add3A_1039 : i32 to vector<16xi32>
      %add3A_1041 = arith.addi %select_n3A_1033, %add3A_1040 : vector<16xi32>
      %select_n3A_1042 = arith.select %lt3A_1038, %add3A_1041, %select_n3A_1033 : vector<16xi1>, vector<16xi32>
      %add3A_1043 = arith.constant 960 : i32
      %add3A_1044 = vector.broadcast %add3A_1043 : i32 to vector<16xi32>
      %add3A_1045 = arith.addi %select_n3A_1042, %add3A_1044 : vector<16xi32>
      %gather3A_1046 = tpu.vector_load_idx %arg8[%add3A_1045] : memref<1024xf32, #tpu.memory_space<vmem>>[vector<16xi32>], vector<16xf32>,
      %add3A_1047 = arith.addf %add3A_982, %gather3A_1046 : vector<16xf32>
      %mul3A_1048 = arith.constant 6.250000e-02 : f32
      %mul3A_1049 = vector.broadcast %mul3A_1048 : f32 to vector<16xf32>
      %mul3A_1050 = arith.mulf %add3A_1047, %mul3A_1049 : vector<16xf32>
      %swap3A = arith.index_cast %mul3A_10 : i32 to index
      %swap3A_1051 = tpu.vector_load %arg9[%swap3A] {strides = array<i32>} : memref<1024xf32, #tpu.memory_space<vmem>>, vector<16xf32>,
      tpu.vector_store %arg9[%swap3A], %mul3A_1050 {strides = array<i32>} : memref<1024xf32, #tpu.memory_space<vmem>>, vector<16xf32>,
    }
    %scan3A_7 = arith.constant 64 : i32
    "tpu.region"() ({
      %run_scoped3A = tpu.sem_alloc : memref<!tpu.dma_semaphore, #tpu.memory_space<semaphore_mem>>
      %dma_start3A = tpu.memref_slice %arg5[%mul3A_2] : memref<32768xf32, #tpu.memory_space<hbm>> -> memref<1024xf32, #tpu.memory_space<hbm>>
      %dma_start3A_8 = tpu.memref_slice %arg5[%mul3A_2] : memref<32768xf32, #tpu.memory_space<hbm>> -> memref<1024xf32, #tpu.memory_space<hbm>>
      tpu.enqueue_dma source(%arg9 : memref<1024xf32, #tpu.memory_space<vmem>>) target(%dma_start3A_8 : memref<1024xf32, #tpu.memory_space<hbm>>) target_semaphore(%run_scoped3A : memref<!tpu.dma_semaphore, #tpu.memory_space<semaphore_mem>>)
      %dma_wait3A = tpu.memref_slice %arg5[%mul3A_2] : memref<32768xf32, #tpu.memory_space<hbm>> -> memref<1024xf32, #tpu.memory_space<hbm>>
      %dma_wait3A_9 = tpu.memref_slice %arg5[%mul3A_2] : memref<32768xf32, #tpu.memory_space<hbm>> -> memref<1024xf32, #tpu.memory_space<hbm>>
      tpu.wait_dma2 semaphore(%run_scoped3A : memref<!tpu.dma_semaphore, #tpu.memory_space<semaphore_mem>>) src(%arg9 : memref<1024xf32, #tpu.memory_space<vmem>>) dst(%dma_wait3A_9 : memref<1024xf32, #tpu.memory_space<hbm>>)
      tpu.yield
    }) : () -> ()
    return
  }
}

</mosaic_0001>

<sc_bundles>
// kernel: kernel.3.cloned.1.call-start
scs
__scs_entry_jumppad:
0x0: {  	(pc) =	sbr.rel $0x88, $3  }
0x1: {  	(tag) =	ssettag $0x0;
	lr =	simm.s32 $0x1  }
0x2: {  	[smem:$0x3F9E] =	sst lr;
	_ =	strace $0xD0000000  }
0x3: {  	_ = 	snop  }
0x4: {  	_ = 	snop  }
0x5: {  	_ = 	snop  }
0x6: {  	_ = 	snop  }
0x7: {  	_ = 	snop  }
__scs_overlays_trampoline_lowered:
0x8: {  	[smem:$0x3FAD] =	sst s0  }
0x9: {  	[smem:$0x3FAE] =	sst s1  }
0xa: {  	[smem:$0x3FAF] =	sst s2  }
0xb: {  	[smem:$0x3FB0] =	sst s3  }
0xc: {  	[smem:$0x3FB1] =	sst s4  }
0xd: {  	[smem:$0x3FB2] =	sst s5  }
0xe: {  	[smem:$0x3FB3] =	sst s6  }
0xf: {  	[smem:$0x3FB4] =	sst s7  }
0x10: {  	[smem:$0x3FB5] =	sst s8  }
0x11: {  	[smem:$0x3FB6] =	sst s9;
	s0 =	simm.s32 @!p0 $0x0  }
0x12: {  	s1 =	sld [smem:$0x3F9C];
	s0 =	simm.s32 @p0 $0x1  }
0x13: {  	[smem:$0x3FB7] =	sst s0;
	s0 =	simm.s32 @!p1 $0x0  }
0x14: {  	s2 =	sld [smem:$0x3F9B];
	s0 =	simm.s32 @p1 $0x1  }
0x15: {  	[smem:$0x3FB8] =	sst s0;
	s0 =	simm.s32 @!p2 $0x0  }
0x16: {  	s3 =	sld [smem:$0x3FDB];
	s0 =	simm.s32 @p2 $0x1  }
0x17: {  	s4 =	simm.s32 $0x1BF5;
	[smem:$0x3FBA] =	sst s0  }
0x18: {  	s0 =	sld [smem:$0x3F9D];
	_ =	swait.ge [sflag:s4], $0x0  }
0x19: {  	s7 =	sld [smem:$0x3F9E]  }
0x1a: {  	s8 =	sadd.s32 $0xFFFFE003, lr  }
0x1b: {  	s9 =	sadd.s32 $0xFFFFFEF7, lr;
	s5 =	simm.s32 $0xFFFFFFFF;
	p2 =	slt.u32 s8, $0xFFFFF086  }
0x1c: {  	p1 =	slt.u32 s9, $0xF7A;
	s5 =	simm.s32 @!p2 $0x0  }
0x1d: {  	s5 =	simm.s32 @p1 $0x1;
	p0 =	seq.s32 s7, s2  }
0x1e: {  	s7 =	smul.u32 @!p0 $0xF7A, s2;
	p2 =	seq.s32 @!p0 s5, $0x0  }
0x1f: {  	s9 =	smul.u32 $0xF7A, s1;
	s8 =	simm.s32 @!p0 $0x1BF5;
	p2 =	por !p2, p0  }
0x20: {  	[sflag:s8] =	ssyncset.s32 @!p0 $0xFFFFF086;
	s6 =	sadd.s32 @!p0 s3, s7;
	s7 =	simm.s32 @!p0 $0x108  }
0x21: {  	s3 =	sadd.s32 s3, s9;
	s6 =	sadd.s32 @!p0 $0x88, s6;
	s7 =	simm.s32 @p2 $0x1082  }
0x22: {  	[simem:s7], [sflag:s8] =	dma.local @!p0 [hbm:s6], $0xF7A  }
0x23: {  	s9 =	sor.u32 $0xD0000000, s2;
	s6 =	simm.s32 $0x108;
	_ =	swait.ge @!p0 [sflag:s8], $0x0  }
0x24: {  	s3 =	sadd.s32 $0x88, s3;
	s6 =	simm.s32 @!p1 $0x1082;
	[sflag:s4] =	ssyncset.s32 $0xFFFFF086  }
0x25: {  	[simem:s6], [sflag:s4] =	dma.local [hbm:s3], $0xF7A  }
0x26: {  	[smem:$0x3F9E] =	sst s1;
	(tag) =	ssettag s2;
	_ =	strace s9  }
0x27: {  	s1 =	sld [smem:$0x3FAE]  }
0x28: {  	s2 =	sld [smem:$0x3FAF]  }
0x29: {  	s4 =	sld [smem:$0x3FB1]  }
0x2a: {  	p0 =	seq.s32 s5, $0x0;
	s5 =	sld [smem:$0x3FB2]  }
0x2b: {  	s6 =	sld [smem:$0x3FB3]  }
0x2c: {  	s7 =	sld [smem:$0x3FB4]  }
0x2d: {  	s3 =	simm.s32 $0x108;
	s8 =	sld [smem:$0x3FB5]  }
0x2e: {  	s3 =	simm.s32 @!p0 $0x1082;
	s9 =	sld [smem:$0x3FB6]  }
0x2f: {  	lr =	sadd.s32 s0, s3;
	s0 =	sld [smem:$0x3FAD]  }
0x30: {  	s3 =	sld [smem:$0x3FB0]  }
0x31: {  	[smem:$0x3FB9] =	sst s10  }
0x32: {  	s10 =	sld [smem:$0x3FB7];
	_ =	sdelay $0x3  }
0x33: {  	p0 =	seq.s32 s10, $0x1;
	s10 =	sld [smem:$0x3FB9];
	_ =	sdelay $0x3  }
0x34: {  	[smem:$0x3FB9] =	sst s10  }
0x35: {  	s10 =	sld [smem:$0x3FB8];
	_ =	sdelay $0x3  }
0x36: {  	p1 =	seq.s32 s10, $0x1;
	s10 =	sld [smem:$0x3FB9];
	_ =	sdelay $0x3  }
0x37: {  	[smem:$0x3FB9] =	sst s10  }
0x38: {  	s10 =	sld [smem:$0x3FBA]  }
0x39: {  	_ = 	snop;
	(pc) =	sbr.ind lr, $3  }
0x3a: {  	_ = 	snop  }
0x3b: {  	_ = 	snop  }
0x3c: {  	p2 =	seq.s32 s10, $0x1;
	s10 =	sld [smem:$0x3FB9]  }
0x3d: {  	_ =	shalt  }
0x3e: {  	_ =	shalt  }
0x3f: {  	_ =	shalt  }
0x40: {  	_ =	shalt  }
0x41: {  	_ =	shalt  }
0x42: {  	_ =	shalt  }
0x43: {  	_ =	shalt  }
0x44: {  	_ =	shalt  }
0x45: {  	_ =	shalt  }
0x46: {  	_ =	shalt  }
0x47: {  	_ =	shalt  }
0x48: {  	_ =	shalt  }
0x49: {  	_ =	shalt  }
0x4a: {  	_ =	shalt  }
0x4b: {  	_ =	shalt  }
0x4c: {  	_ =	shalt  }
0x4d: {  	_ =	shalt  }
0x4e: {  	_ =	shalt  }
0x4f: {  	_ =	shalt  }
0x50: {  	_ =	shalt  }
0x51: {  	_ =	shalt  }
0x52: {  	_ =	shalt  }
0x53: {  	_ =	shalt  }
0x54: {  	_ =	shalt  }
0x55: {  	_ =	shalt  }
0x56: {  	_ =	shalt  }
0x57: {  	_ =	shalt  }
0x58: {  	_ =	shalt  }
0x59: {  	_ =	shalt  }
0x5a: {  	_ =	shalt  }
0x5b: {  	_ =	shalt  }
0x5c: {  	_ =	shalt  }
0x5d: {  	_ =	shalt  }
0x5e: {  	_ =	shalt  }
0x5f: {  	_ =	shalt  }
0x60: {  	_ =	shalt  }
0x61: {  	_ =	shalt  }
0x62: {  	_ =	shalt  }
0x63: {  	_ =	shalt  }
0x64: {  	_ =	shalt  }
0x65: {  	_ =	shalt  }
0x66: {  	_ =	shalt  }
0x67: {  	_ =	shalt  }
0x68: {  	_ =	shalt  }
0x69: {  	_ =	shalt  }
0x6a: {  	_ =	shalt  }
0x6b: {  	_ =	shalt  }
0x6c: {  	_ =	shalt  }
0x6d: {  	_ =	shalt  }
0x6e: {  	_ =	shalt  }
0x6f: {  	_ =	shalt  }
0x70: {  	_ =	shalt  }
0x71: {  	_ =	shalt  }
0x72: {  	_ =	shalt  }
0x73: {  	_ =	shalt  }
0x74: {  	_ =	shalt  }
0x75: {  	_ =	shalt  }
0x76: {  	_ =	shalt  }
0x77: {  	_ =	shalt  }
0x78: {  	_ =	shalt  }
0x79: {  	_ =	shalt  }
0x7a: {  	_ =	shalt  }
0x7b: {  	_ =	shalt  }
0x7c: {  	_ =	shalt  }
0x7d: {  	_ =	shalt  }
0x7e: {  	_ =	shalt  }
0x7f: {  	_ =	shalt  }
0x80: {  	_ =	shalt  }
0x81: {  	_ =	shalt  }
0x82: {  	_ =	shalt  }
0x83: {  	_ =	shalt  }
0x84: {  	_ =	shalt  }
0x85: {  	_ =	shalt  }
0x86: {  	_ =	shalt  }
0x87: {  	_ =	shalt  }
.Lfunc_end0:
.L_simem_size_0:
called_computation_lowered:
.L_overlay_start_0:
0x88: {  	s2 =	sld [smem:$0x3FD9]  }
0x89: {  	s3 =	sld [smem:$0x3FFE];
	_ =	sdelay $0x1  }
0x8a: {  	s1 =	srdreg.scid  }
0x8b: {  	s0 =	sand.u32 $0x1, s1  }
0x8c: {  	s17 =	sshll.u32 s0, $0xA;
	s2 =	sadd.s32 s3, s2  }
0x8d: {  	s2 =	sadd.s32 s2, s17  }
0x8e: {  	[smem:$0x3FC5] =	sst s2  }
0x8f: {  	_ = 	snop  }
0x90: {  	s2 =	sld [smem:$0x3FC9]  }
0x91: {  	s18 =	sld [smem:$0x3FD0];
	(tm) =	ssettm $0x1  }
0x92: {  	s4 =	sld [smem:$0x3FFB];
	_ =	sdelay $0x3  }
0x93: {  	_ =	strace s4  }
0x94: {  	s4 =	sld [smem:$0x3FFC];
	_ =	sdelay $0x3  }
0x95: {  	_ =	strace s4  }
0x96: {  	s4 =	sld [smem:$0x3FFD];
	_ =	sdelay $0x3  }
0x97: {  	_ =	strace s4  }
0x98: {  	_ =	strace $0x8FFFFFFF  }
0x99: {  	s19 =	sld [smem:$0x3FDB];
	_ =	sdelay $0x1  }
0x9a: {  	s5 =	simm.s32 $_scs_section_size  }
0x9b: {  	s6 =	simm.s32 $_size__tile_overlayer_lowered;
	s7 =	simm.s32 $_tile_overlayer_lowered  }
0x9c: {  	s22 =	simm.s32 $0x1BFF;
	s21 =	sshll.u32 s7, $0x1;
	s4 =	sadd.s32 s5, s19  }
0x9d: {  	s8 =	simm.s32 $0x0;
	s20 =	sshll.u32 s6, $0x1;
	s6 =	sadd.s32 s21, s4  }
0x9e: {  	[timem:s8], [sflag:s22] =	dma.local [hbm:s6], s20  }
0x9f: {  	_ =	swait.ge [sflag:s22], s20  }
0xa0: {  	s5 =	ssub.s32 $0x0, s20;
	[sflag:s22] =	ssyncset.done $0x0  }
0xa1: {  	[sflag:s22] =	ssyncadd.s32 s5;
	_ =	sdelay $0x1  }
0xa2: {  	s23 =	simm.s32 $0x1B8B  }
0xa3: {  	_ =	swait.ge [sflag:s23], $0x1  }
0xa4: {  	[sflag:s23] =	ssyncset.done $0x0  }
0xa5: {  	s25 =	simm.s32 $0x1B8E;
	s24 =	sld [smem:$0x3FFE];
	[sflag:s23] =	ssyncadd.s32 $0xFFFFFFFF  }
0xa6: {  	s26 =	simm.s32 $execute0_lowered;
	[smem:$0x3FD2] =	sst s25  }
0xa7: {  	s6 =	sshll.u32 s26, $0x1;
	_ =	strace $0x80000046;
	[dreg:$0x1] =	wrdreg $0xFFFFFFFF  }
0xa8: {  	s28 =	simm.s32 $_size_execute0_lowered;
	s4 =	sadd.s32 s4, s6;
	[dreg:$0x0] =	wrdreg $0x0  }
0xa9: {  	s6 =	sshll.u32 s28, $0x1;
	[dreg:$0x2] =	wrdreg s4  }
0xaa: {  	[dreg:$0x3] =	wrdreg s6  }
0xab: {  	[dreg:$0x4] =	wrdreg $0xC0  }
0xac: {  	_ =	task [dreg:s8], $0x5FFFF  }
0xad: {  	[dreg:$0x1] =	wrdreg $0xFFFFFFFF  }
0xae: {  	[dreg:$0x0] =	wrdreg $0x60  }
0xaf: {  	[dreg:$0x2] =	wrdreg s2  }
0xb0: {  	[dreg:$0x3] =	wrdreg s24  }
0xb1: {  	[dreg:$0x4] =	wrdreg s18  }
0xb2: {  	[dreg:$0x5] =	wrdreg $0x9  }
0xb3: {  	_ =	task.clear_ibuf [dreg:s8], $0x6FFFF;
	_ =	strace $0x90000046  }
0xb4: {  	s29 =	simm.s32 $0x9;
	_ =	strace $0x80000048  }
0xb5: {  	_ =	swait.ge [sflag:s29], $0x1  }
0xb6: {  	[sflag:s29] =	ssyncadd.s32 $0xFFFFFFFF  }
0xb7: {  	_ =	strace $0x90000048  }
0xb8: {  	_ =	sfence  }
0xb9: {  	s30 =	sld [smem:$0x0];
	_ =	sdelay $0x2  }
0xba: {  	s31 =	sshll.u32 s1, $0xD;
	s1 =	sshrl.u32 s1, $0x2  }
0xbb: {  	s3 =	sand.u32 $0x4000, s31;
	s1 =	sadd.s32 s1, s30  }
0xbc: {  	s0 =	sor.u32 s3, s0;
	s1 =	sshll.u32 s1, $0x11  }
0xbd: {  	s0 =	sor.u32 s1, s0  }
0xbe: {  	s0 =	sadd.s32 $0x8F2B, s0  }
0xbf: {  	[sflag:s0] =	ssyncadd.remote.s32 $0x1  }
0xc0: {  	_ =	sfence.sel $0xFFFF  }
0xc1: {  	[dreg:$0x0] =	wrdreg $0xFFFFFFFF;
	(pc) =	sbr.abs _section_cstart, $3  }
0xc2: {  	[dreg:$0x1] =	wrdreg $0xFFFFFFFF  }
0xc3: {  	_ =	task.clear_ibuf [dreg:s8], $0x2FFFF;
	_ =	strace $0x9FFFFFFF  }
0xc4: {  	(tm) =	ssettm $0x7FFFFFFF  }
0xc5: {  	_ =	shalt  }
tec
execute0_lowered:
.L_overlay_start_1:
0x0: {  	(tag) =	ssettag $0x1  }
0x1: {  	s5 =	rddreg [dreg:$0x0]  }
0x2: {  	s1 =	rddreg [dreg:$0x1]  }
0x3: {  	s6 =	rddreg [dreg:$0x2]  }
0x4: {  	s0 =	rddreg [dreg:$0x3]  }
0x5: {  	s3 =	simm.s32 $0x0;
	s4 =	srdreg.scid;
	s2 =	stileid.u32  }
0x6: {  	s11 =	simm.s32 $0x2000;
	s12 =	simm.s32 $0x40000;
	s13 =	simm.s32 $0x4800  }
0x7: {  	v0 =	vimm.s32 $0x1F;
	v1 =	vimm.s32 $0x0;
	s14 =	simm.s32 $0x0;
	[smem:$0x7FF] =	sst s3;
	s4 =	sand.u32 $0x1, s4  }
0x8: {  	v2 =	vimm.s32 $0x5F;
	v3 =	vimm.s32 $0x9F;
	v4 =	vimm.s32 $0xDF;
	s8 =	sshll.u32 s2, $0xB;
	_ =	strace $0x80000047;
	s7 =	ssub.s32 $0x2, s4  }
0x9: {  	v5 =	vimm.s32 $0x11F;
	v6 =	vimm.s32 $0x15F;
	v7 =	vimm.s32 $0x19F;
	s9 =	sshll.u32 s4, $0xA;
	s4 =	sadd.s32 $0x200, s1;
	s10 =	sshrl.u32 s7, $0x1  }
0xa: {  	v8 =	vimm.s32 $0x1DF;
	v9 =	vimm.s32 $0x21F;
	v10 =	vimm.s32 $0x25F;
	s8 =	sor.u32 s9, s8;
	s9 =	simm.s32 $0x1;
	s7 =	ssub.s32 s7, s10  }
0xb: {  	v11 =	vimm.s32 $0x29F;
	v12 =	vimm.s32 $0x2DF;
	v13 =	vimm.s32 $0x31F;
	s5 =	sadd.s32 s5, s8;
	s8 =	sshrl.u32 s8, $0x3;
	s10 =	simm.s32 $0x4400  }
0xc: {  	v14 =	vimm.s32 $0x35F;
	v15 =	vimm.s32 $0x39F;
	v16 =	vimm.s32 $0x3DF;
	s6 =	sadd.s32 s6, s8;
	s7 =	smax.u32 s7, $0x1;
	s8 =	simm.s32 $0x4000  }
.LBB2_1:
0xd: {  	[tilespmem:s8], [sflag:$0x1] =	stream.linear.gather [hbm4b:s1+s3], $0x400, $0x38;
	[tilespmem:$0x4C00] =	vst v63  }
0xe: {  	_ =	swait.ge [sflag:s9], $0x400  }
0xf: {  	[sflag:s9] =	ssyncset.done $0x0  }
0x10: {  	[sflag:s9] =	ssyncadd.s32 $0xFFFFFC00  }
0x11: {  	[tilespmem:s10], [sflag:$0x1] =	stream.linear.gather [hbm4b:s4+s3], $0x400, $0x38;
	[tilespmem:$0x4C00] =	vst v63  }
0x12: {  	_ =	swait.ge [sflag:s9], $0x400  }
0x13: {  	[sflag:s9] =	ssyncset.done $0x0  }
0x14: {  	[sflag:s9] =	ssyncadd.s32 $0xFFFFFC00  }
0x15: {  	[tilespmem:s3], [sflag:$0x1] =	stream.strided.gather [hbm4b:s5+s11], $0x4000, s12, s11, $0x38;
	[tilespmem:$0x4C00] =	vst v63  }
0x16: {  	_ =	swait.ge [sflag:s9], $0x4000  }
0x17: {  	s15 =	simm.s32 $0x4800;
	[sflag:s9] =	ssyncset.done $0x0  }
0x18: {  	s16 =	simm.s32 $0x0;
	s17 =	simm.s32 $0x0;
	[sflag:s9] =	ssyncadd.s32 $0xFFFFC000  }
.LBB2_2:
0x19: {  	s18 =	sand.u32 $0x70, s17;
	s19 =	sand.u32 $0x1C00, s16  }
0x1a: {  	v17 =	vld.idx.msk [tilespmem:v0+s8+$0x0], $0xffff;
	s18 =	sor.u32 s18, s19  }
0x1b: {  	v23 =	vld [tilespmem:s18+$0x0]  }
0x1c: {  	v18 =	vld.idx.msk [tilespmem:v2+s8+$0x0], $0xffff  }
0x1d: {  	v22 =	vld [tilespmem:s18+$0x80];
	_ =	sdelay $0x2  }
0x1e: {  	vm0 =	vlt.f32 v17, v23  }
0x1f: {  	v17 =	vsel vm0, $0x20, v1  }
0x20: {  	vm8 =	vlt.f32 v18, v22;
	v18 =	vor.u32 $0xF, v17  }
0x21: {  	v19 =	vsel vm8, $0x20, v1  }
0x22: {  	v20 =	vor.u32 $0x4F, v19  }
0x23: {  	v21 =	vld.idx.msk [tilespmem:v3+s8+$0x0], $0xffff  }
0x24: {  	v28 =	vld [tilespmem:s18+$0x100]  }
0x25: {  	v18 =	vld.idx.msk [tilespmem:v18+s8+$0x0], $0xffff;
	_ =	sdelay $0x1  }
0x26: {  	v20 =	vld.idx.msk [tilespmem:v20+s8+$0x0], $0xffff;
	_ =	sdelay $0x1  }
0x27: {  	vm11 =	vlt.f32 v21, v28  }
0x28: {  	v42 =	vsel vm11, $0x20, v1;
	vm9 =	vlt.f32 v18, v23;
	v18 =	vor.u32 $0x10, v17  }
0x29: {  	v43 =	vor.u32 $0x8F, v42;
	v24 =	vsel vm9, v18, v17  }
0x2a: {  	v29 =	vld.idx.msk [tilespmem:v4+s8+$0x0], $0xffff;
	vm10 =	vlt.f32 v20, v22;
	v17 =	vor.u32 $0x10, v19;
	v18 =	vor.u32 $0x7, v24  }
0x2b: {  	v30 =	vld.idx.msk [tilespmem:v5+s8+$0x0], $0xffff;
	v19 =	vsel vm10, v17, v19  }
0x2c: {  	v27 =	vld [tilespmem:s18+$0x180];
	v17 =	vor.u32 $0x47, v19  }
0x2d: {  	v45 =	vld.idx.msk [tilespmem:v6+s8+$0x0], $0xffff  }
0x2e: {  	v21 =	vld.idx.msk [tilespmem:v43+s8+$0x0], $0xffff  }
0x2f: {  	v25 =	vld.idx.msk [tilespmem:v18+s8+$0x0], $0xffff  }
0x30: {  	v18 =	vld [tilespmem:s18+$0x200]  }
0x31: {  	vm15 =	vlt.f32 v29, v27;
	v26 =	vld.idx.msk [tilespmem:v17+s8+$0x0], $0xffff  }
0x32: {  	v29 =	vsel vm15, $0x20, v1;
	v17 =	vld [tilespmem:s18+$0x280]  }
0x33: {  	v48 =	vor.u32 $0xCF, v29  }
0x34: {  	vm14 =	vlt.f32 v21, v28;
	v44 =	vor.u32 $0x8, v24;
	vm12 =	vlt.f32 v25, v23  }
0x35: {  	v46 =	vor.u32 $0x8, v19;
	vm4 =	vlt.f32 v30, v18;
	v24 =	vsel vm12, v44, v24  }
0x36: {  	vm13 =	vlt.f32 v26, v22;
	v32 =	vsel vm4, $0x20, v1;
	v31 =	vor.u32 $0x3, v24  }
0x37: {  	vm5 =	vlt.f32 v45, v17;
	v26 =	vsel vm13, v46, v19;
	v50 =	vor.u32 $0x10F, v32  }
0x38: {  	v19 =	vor.u32 $0x10, v42;
	v33 =	vsel vm5, $0x20, v1;
	v47 =	vor.u32 $0x43, v26  }
0x39: {  	v20 =	vsel vm14, v19, v42;
	v34 =	vor.u32 $0x14F, v33  }
0x3a: {  	v30 =	vld.idx.msk [tilespmem:v48+s8+$0x0], $0xffff;
	v19 =	vor.u32 $0x87, v20  }
0x3b: {  	v49 =	vld.idx.msk [tilespmem:v31+s8+$0x0], $0xffff  }
0x3c: {  	v51 =	vld.idx.msk [tilespmem:v50+s8+$0x0], $0xffff  }
0x3d: {  	v21 =	vld.idx.msk [tilespmem:v47+s8+$0x0], $0xffff  }
0x3e: {  	v57 =	vor.u32 $0x10, v29;
	v52 =	vld.idx.msk [tilespmem:v34+s8+$0x0], $0xffff  }
0x3f: {  	v59 =	vor.u32 $0x10, v32;
	v54 =	vor.u32 $0x4, v26;
	v60 =	vor.u32 $0x10, v33;
	v35 =	vld.idx.msk [tilespmem:v19+s8+$0x0], $0xffff  }
0x40: {  	v55 =	vor.u32 $0x8, v20;
	v19 =	vor.u32 $0x4, v24;
	vm6 =	vlt.f32 v49, v23  }
0x41: {  	vm9 =	vlt.f32 v30, v27;
	vm10 =	vlt.f32 v51, v18;
	v24 =	vsel vm6, v19, v24  }
0x42: {  	vm7 =	vlt.f32 v21, v22;
	v25 =	vsel vm10, v59, v32;
	v53 =	vadd.s32 $0x1, v24  }
0x43: {  	v56 =	vld.idx.msk [tilespmem:v7+s8+$0x0], $0xffff;
	v29 =	vsel vm9, v57, v29;
	v21 =	vsel vm7, v54, v26;
	v32 =	vor.u32 $0x107, v25  }
0x44: {  	v19 =	vld [tilespmem:s18+$0x300];
	vm11 =	vlt.f32 v52, v17;
	vm8 =	vlt.f32 v35, v28;
	v58 =	vadd.s32 $0x41, v21  }
0x45: {  	v31 =	vsel vm11, v60, v33;
	v26 =	vsel vm8, v55, v20;
	v20 =	vor.u32 $0xC7, v29  }
0x46: {  	v46 =	vld.idx.msk [tilespmem:v8+s8+$0x0], $0xffff;
	v62 =	vor.u32 $0x147, v31  }
0x47: {  	v61 =	vld.idx.msk [tilespmem:v53+s8+$0x0], $0xffff  }
0x48: {  	v36 =	vor.u32 $0x83, v26;
	v32 =	vld.idx.msk [tilespmem:v32+s8+$0x0], $0xffff  }
0x49: {  	vm12 =	vlt.f32 v56, v19;
	v30 =	vld.idx.msk [tilespmem:v58+s8+$0x0], $0xffff  }
0x4a: {  	v35 =	vsel vm12, $0x20, v1;
	v38 =	vld.idx.msk [tilespmem:v20+s8+$0x0], $0xffff  }
0x4b: {  	v47 =	vor.u32 $0x8, v29;
	v42 =	vadd.s32 $0x2, v24;
	v37 =	vor.u32 $0x18F, v35;
	v63 =	vld.idx.msk [tilespmem:v62+s8+$0x0], $0xffff  }
0x4c: {  	v48 =	vor.u32 $0x8, v25;
	v43 =	vadd.s32 $0x2, v21;
	v51 =	vor.u32 $0x8, v31;
	v20 =	vld [tilespmem:s18+$0x380]  }
0x4d: {  	v45 =	vor.u32 $0x4, v26;
	v36 =	vld.idx.msk [tilespmem:v36+s8+$0x0], $0xffff;
	vm13 =	vlt.f32 v61, v23;
	vm4 =	vlt.f32 v32, v18  }
0x4e: {  	v49 =	vld.idx.msk [tilespmem:v9+s8+$0x0], $0xffff;
	vm1 =	vlt.f32 v30, v22;
	v24 =	vsel vm13, v42, v24;
	v25 =	vsel vm4, v48, v25  }
0x4f: {  	v59 =	vld.idx.msk [tilespmem:v10+s8+$0x0], $0xffff;
	vm15 =	vlt.f32 v38, v27;
	v21 =	vsel vm1, v43, v21;
	v32 =	vor.u32 $0x103, v25  }
0x50: {  	v44 =	vld.idx.msk [tilespmem:v37+s8+$0x0], $0xffff;
	vm5 =	vlt.f32 v63, v17;
	v29 =	vsel vm15, v47, v29;
	v37 =	vadd.s32 $0x40, v21  }
0x51: {  	v61 =	vld.idx.msk [tilespmem:v11+s8+$0x0], $0xffff;
	vm7 =	vlt.f32 v46, v20;
	v31 =	vsel vm5, v51, v31;
	v39 =	vor.u32 $0xC3, v29  }
0x52: {  	vm14 =	vlt.f32 v36, v28;
	v41 =	vsel vm7, $0x20, v1;
	v21 =	vld [tilespmem:s18+$0x2000];
	v40 =	vor.u32 $0x143, v31  }
0x53: {  	v26 =	vsel vm14, v45, v26;
	v56 =	vor.u32 $0x1CF, v41;
	v53 =	vld.idx.msk [tilespmem:v24+s8+$0x0], $0xffff  }
0x54: {  	v50 =	vadd.s32 $0x81, v26;
	v32 =	vld.idx.msk [tilespmem:v32+s8+$0x0], $0xffff  }
0x55: {  	v54 =	vld.idx.msk [tilespmem:v37+s8+$0x0], $0xffff  }
0x56: {  	v52 =	vor.u32 $0x10, v35;
	vm6 =	vlt.f32 v44, v19;
	v39 =	vld.idx.msk [tilespmem:v39+s8+$0x0], $0xffff  }
0x57: {  	v33 =	vsel vm6, v52, v35;
	v40 =	vld.idx.msk [tilespmem:v40+s8+$0x0], $0xffff  }
0x58: {  	v35 =	vor.u32 $0x187, v33;
	v38 =	vld.idx.msk [tilespmem:v56+s8+$0x0], $0xffff  }
0x59: {  	v60 =	vor.u32 $0x4, v29;
	v45 =	vor.u32 $0x4, v25;
	vm8 =	vlt.f32 v49, v21;
	v55 =	vld.idx.msk [tilespmem:v50+s8+$0x0], $0xffff  }
0x5a: {  	v63 =	vld.idx.msk [tilespmem:v12+s8+$0x0], $0xffff;
	v62 =	vor.u32 $0x4, v31;
	v42 =	vsel vm8, $0x20, v1;
	vm9 =	vlt.f32 v53, v23  }
0x5b: {  	v48 =	vld.idx.msk [tilespmem:v13+s8+$0x0], $0xffff;
	v57 =	vadd.s32 $0x2, v26;
	v43 =	vor.u32 $0x20F, v42;
	v58 =	vsel vm9, $0x1, v1  }
0x5c: {  	v23 =	vld [tilespmem:s18+$0x2080];
	vm13 =	vlt.f32 v32, v18;
	vm11 =	vlt.f32 v54, v22;
	v30 =	vadd.s32 v58, v24  }
0x5d: {  	v35 =	vld.idx.msk [tilespmem:v35+s8+$0x0], $0xffff;
	vm12 =	vlt.f32 v39, v27;
	vm2 =	vlt.f32 v40, v17;
	v39 =	vsel vm13, v45, v25  }
0x5e: {  	v24 =	vld [tilespmem:s18+$0x2100];
	vm4 =	vlt.f32 v38, v20;
	v58 =	vor.u32 $0x10, v41;
	vm10 =	vlt.f32 v55, v28  }
0x5f: {  	v22 =	vld [tilespmem:s18+$0x2180];
	v36 =	vsel vm11, $0x1, v1;
	v29 =	vsel vm12, v60, v29;
	v46 =	vadd.s32 $0x101, v39  }
0x60: {  	v25 =	vld [tilespmem:s18+$0x2200];
	v40 =	vsel vm2, v62, v31;
	v41 =	vsel vm4, v58, v41;
	v56 =	vadd.s32 $0xC1, v29  }
0x61: {  	v62 =	vor.u32 $0x10, v42;
	v43 =	vld.idx.msk [tilespmem:v43+s8+$0x0], $0xffff;
	v34 =	vsel vm10, v57, v26;
	v47 =	vadd.s32 $0x141, v40  }
0x62: {  	v57 =	vor.u32 $0x8, v33;
	v26 =	vld [tilespmem:s18+$0x2280];
	v45 =	vor.u32 $0x1C7, v41;
	vm15 =	vlt.f32 v59, v23  }
0x63: {  	v44 =	vor.u32 $0x80, v34;
	v59 =	vld.idx.msk [tilespmem:v14+s8+$0x0], $0xffff;
	v38 =	vsel vm15, $0x20, v1;
	vm14 =	vlt.f32 v35, v19  }
0x64: {  	v49 =	vor.u32 $0x24F, v38;
	vm5 =	vlt.f32 v61, v24;
	v35 =	vsel vm14, v57, v33;
	v61 =	vld.idx.msk [tilespmem:v46+s8+$0x0], $0xffff  }
0x65: {  	vm6 =	vlt.f32 v63, v22;
	v51 =	vsel vm5, $0x20, v1;
	v50 =	vor.u32 $0x183, v35;
	v60 =	vld.idx.msk [tilespmem:v56+s8+$0x0], $0xffff  }
0x66: {  	vm8 =	vlt.f32 v48, v25;
	v46 =	vsel vm6, $0x20, v1;
	v52 =	vor.u32 $0x28F, v51;
	v47 =	vld.idx.msk [tilespmem:v47+s8+$0x0], $0xffff  }
0x67: {  	v53 =	vsel vm8, $0x20, v1;
	vm7 =	vlt.f32 v43, v21;
	v63 =	vor.u32 $0x2CF, v46;
	v45 =	vld.idx.msk [tilespmem:v45+s8+$0x0], $0xffff  }
0x68: {  	v32 =	vadd.s32 v36, v37;
	v57 =	vor.u32 $0x30F, v53;
	v44 =	vld.idx.msk [tilespmem:v44+s8+$0x0], $0xffff;
	v42 =	vsel vm7, v62, v42  }
0x69: {  	v55 =	vor.u32 $0x10, v51;
	vm9 =	vlt.f32 v59, v26;
	v48 =	vor.u32 $0x207, v42;
	v49 =	vld.idx.msk [tilespmem:v49+s8+$0x0], $0xffff  }
0x6a: {  	vm11 =	vlt.f32 v61, v18;
	v61 =	vadd.s32 $0x2, v39;
	v56 =	vld.idx.msk [tilespmem:v50+s8+$0x0], $0xffff;
	v50 =	vsel vm9, $0x20, v1  }
0x6b: {  	vm10 =	vlt.f32 v60, v27;
	v58 =	vld.idx.msk [tilespmem:v52+s8+$0x0], $0xffff;
	v60 =	vadd.s32 $0x2, v29;
	v31 =	vsel vm11, v61, v39  }
0x6c: {  	vm12 =	vlt.f32 v47, v17;
	v62 =	vld.idx.msk [tilespmem:v63+s8+$0x0], $0xffff;
	v63 =	vadd.s32 $0x2, v40;
	v59 =	vor.u32 $0x34F, v50  }
0x6d: {  	v52 =	vor.u32 $0x10, v38;
	v37 =	vld.idx.msk [tilespmem:v57+s8+$0x0], $0xffff;
	v57 =	vor.u32 $0x10, v46;
	vm5 =	vlt.f32 v45, v20  }
0x6e: {  	vm0 =	vlt.f32 v44, v28;
	v29 =	vsel vm10, v60, v29;
	v33 =	vsel vm12, v63, v40;
	v28 =	vld [tilespmem:s18+$0x2300]  }
0x6f: {  	v60 =	vor.u32 $0x10, v53;
	v63 =	vor.u32 $0x8, v41;
	v43 =	vld.idx.msk [tilespmem:v48+s8+$0x0], $0xffff;
	vm13 =	vlt.f32 v49, v23  }
0x70: {  	v48 =	vadd.s32 $0xC0, v29;
	v38 =	vsel vm13, v52, v38;
	vm14 =	vlt.f32 v58, v24;
	v58 =	vld.idx.msk [tilespmem:v15+s8+$0x0], $0xffff  }
0x71: {  	v41 =	vsel vm5, v63, v41;
	v33 =	vadd.s32 $0x140, v33;
	v54 =	vor.u32 $0x247, v38;
	v44 =	vld.idx.msk [tilespmem:v59+s8+$0x0], $0xffff  }
0x72: {  	v61 =	vld.idx.msk [tilespmem:v16+s8+$0x0], $0xffff;
	vm15 =	vlt.f32 v56, v19;
	vm4 =	vlt.f32 v62, v22;
	v36 =	vsel vm14, v55, v51  }
0x73: {  	v29 =	vld [tilespmem:s18+$0x2380];
	vm6 =	vlt.f32 v37, v25;
	v39 =	vsel vm4, v57, v46;
	v47 =	vor.u32 $0x287, v36  }
0x74: {  	v56 =	vor.u32 $0x4, v35;
	v37 =	vsel vm6, v60, v53;
	v59 =	vor.u32 $0x2C7, v39  }
0x75: {  	v35 =	vsel vm15, v56, v35;
	v56 =	vor.u32 $0x307, v37;
	vm8 =	vlt.f32 v58, v28  }
0x76: {  	v62 =	vor.u32 $0x10, v50;
	v46 =	vld.idx.msk [tilespmem:v48+s8+$0x0], $0xffff;
	vm7 =	vlt.f32 v44, v26;
	v49 =	vsel vm8, $0x20, v1  }
0x77: {  	v57 =	vor.u32 $0x8, v42;
	v40 =	vld.idx.msk [tilespmem:v54+s8+$0x0], $0xffff;
	v44 =	vsel vm7, v62, v50;
	v45 =	vor.u32 $0x38F, v49  }
0x78: {  	v60 =	vsel vm0, $0x1, v1;
	vm10 =	vlt.f32 v61, v29;
	v47 =	vld.idx.msk [tilespmem:v47+s8+$0x0], $0xffff;
	v50 =	vor.u32 $0x347, v44  }
0x79: {  	vm9 =	vlt.f32 v43, v21;
	v63 =	vor.u32 $0x8, v36;
	v51 =	vsel vm10, $0x20, v1;
	v58 =	vld.idx.msk [tilespmem:v59+s8+$0x0], $0xffff  }
0x7a: {  	v34 =	vadd.s32 v60, v34;
	v42 =	vsel vm9, v57, v42;
	v61 =	vld.idx.msk [tilespmem:v56+s8+$0x0], $0xffff;
	v62 =	vor.u32 $0x3CF, v51  }
0x7b: {  	v34 =	vadd.s32 $0x80, v34;
	v54 =	vor.u32 $0x1C3, v41;
	v59 =	vor.u32 $0x8, v38  }
0x7c: {  	v56 =	vor.u32 $0x203, v42;
	vm14 =	vlt.f32 v46, v27;
	vm11 =	vlt.f32 v40, v23;
	v45 =	vld.idx.msk [tilespmem:v45+s8+$0x0], $0xffff  }
0x7d: {  	v27 =	vadd.s32 $0x181, v35;
	v38 =	vsel vm11, v59, v38;
	v59 =	vor.u32 $0x8, v37;
	v50 =	vld.idx.msk [tilespmem:v50+s8+$0x0], $0xffff  }
0x7e: {  	vm12 =	vlt.f32 v47, v24;
	v57 =	vor.u32 $0x243, v38;
	vm13 =	vlt.f32 v58, v22  }
0x7f: {  	v58 =	vor.u32 $0x8, v39;
	vm15 =	vlt.f32 v61, v25;
	v60 =	vld.idx.msk [tilespmem:v62+s8+$0x0], $0xffff;
	v36 =	vsel vm12, v63, v36  }
0x80: {  	v52 =	vld.idx.msk [tilespmem:v54+s8+$0x0], $0xffff;
	v61 =	vor.u32 $0x8, v44;
	v39 =	vsel vm13, v58, v39;
	v43 =	vor.u32 $0x283, v36  }
0x81: {  	v53 =	vld.idx.msk [tilespmem:v56+s8+$0x0], $0xffff;
	v58 =	vor.u32 $0x10, v49;
	v63 =	vor.u32 $0x2C3, v39;
	vm5 =	vlt.f32 v45, v28  }
0x82: {  	v62 =	vsel vm14, $0x1, v1;
	v27 =	vld.idx.msk [tilespmem:v27+s8+$0x0], $0xffff;
	vm4 =	vlt.f32 v50, v26;
	v45 =	vsel vm5, v58, v49  }
0x83: {  	v37 =	vsel vm15, v59, v37;
	v40 =	vsel vm4, v61, v44;
	v49 =	vor.u32 $0x387, v45  }
0x84: {  	v56 =	vld.idx.msk [tilespmem:v57+s8+$0x0], $0xffff;
	vm6 =	vlt.f32 v60, v29;
	v60 =	vor.u32 $0x10, v51;
	v59 =	vor.u32 $0x343, v40  }
0x85: {  	v48 =	vadd.s32 v62, v48;
	v57 =	vor.u32 $0x303, v37;
	v46 =	vsel vm6, v60, v51;
	v43 =	vld.idx.msk [tilespmem:v43+s8+$0x0], $0xffff  }
0x86: {  	vm7 =	vlt.f32 v52, v20;
	vm8 =	vlt.f32 v53, v21;
	v62 =	vld.idx.msk [tilespmem:v63+s8+$0x0], $0xffff;
	v52 =	vor.u32 $0x3C7, v46  }
0x87: {  	vm11 =	vlt.f32 v27, v19;
	v61 =	vor.u32 $0x4, v41;
	v63 =	vor.u32 $0x4, v42  }
0x88: {  	v60 =	vor.u32 $0x4, v36;
	v41 =	vsel vm7, v61, v41;
	v42 =	vsel vm8, v63, v42;
	v49 =	vld.idx.msk [tilespmem:v49+s8+$0x0], $0xffff  }
0x89: {  	v63 =	vor.u32 $0x4, v37;
	vm9 =	vlt.f32 v56, v23;
	v56 =	vor.u32 $0x4, v38;
	v58 =	vld.idx.msk [tilespmem:v59+s8+$0x0], $0xffff  }
0x8a: {  	v47 =	vld.idx.msk [tilespmem:v57+s8+$0x0], $0xffff;
	v57 =	vadd.s32 $0x1C1, v41;
	v38 =	vsel vm9, v56, v38;
	vm10 =	vlt.f32 v43, v24  }
0x8b: {  	v61 =	vadd.s32 $0x241, v38;
	vm12 =	vlt.f32 v62, v22;
	v62 =	vor.u32 $0x4, v39;
	v52 =	vld.idx.msk [tilespmem:v52+s8+$0x0], $0xffff  }
0x8c: {  	v59 =	vadd.s32 $0x201, v42;
	v36 =	vsel vm10, v60, v36;
	v39 =	vsel vm12, v62, v39  }
0x8d: {  	v60 =	vor.u32 $0x8, v46;
	v43 =	vadd.s32 $0x281, v36;
	v53 =	vadd.s32 $0x2C1, v39  }
0x8e: {  	v55 =	vld.idx.msk [tilespmem:v33+s8+$0x0], $0xffff;
	vm15 =	vlt.f32 v49, v28;
	vm14 =	vlt.f32 v58, v26;
	v58 =	vor.u32 $0x8, v45  }
0x8f: {  	vm13 =	vlt.f32 v47, v25;
	v56 =	vld.idx.msk [tilespmem:v57+s8+$0x0], $0xffff;
	v57 =	vor.u32 $0x4, v40;
	v45 =	vsel vm15, v58, v45  }
0x90: {  	v37 =	vsel vm13, v63, v37;
	v27 =	vld.idx.msk [tilespmem:v61+s8+$0x0], $0xffff;
	vm4 =	vlt.f32 v52, v29;
	v49 =	vor.u32 $0x383, v45  }
0x91: {  	v61 =	vadd.s32 $0x2, v35;
	v44 =	vld.idx.msk [tilespmem:v59+s8+$0x0], $0xffff;
	v59 =	vadd.s32 $0x301, v37;
	v46 =	vsel vm4, v60, v46  }
0x92: {  	v35 =	vsel vm11, v61, v35;
	v61 =	vadd.s32 $0x2, v36;
	v40 =	vsel vm14, v57, v40;
	v43 =	vld.idx.msk [tilespmem:v43+s8+$0x0], $0xffff  }
0x93: {  	v63 =	vor.u32 $0x3C3, v46;
	v57 =	vadd.s32 $0x2, v42;
	v53 =	vld.idx.msk [tilespmem:v53+s8+$0x0], $0xffff;
	v58 =	vor.u32 $0x100, v31  }
0x94: {  	v60 =	vor.u32 $0x180, v35;
	vm5 =	vlt.f32 v56, v20;
	v56 =	vadd.s32 $0x2, v41  }
0x95: {  	vm15 =	vlt.f32 v55, v17;
	v62 =	vadd.s32 $0x341, v40;
	v41 =	vsel vm5, v56, v41;
	v49 =	vld.idx.msk [tilespmem:v49+s8+$0x0], $0xffff  }
0x96: {  	v30 =	vld.idx.msk [tilespmem:v30+s10+$0x0], $0xffff;
	v56 =	vadd.s32 $0x2, v37;
	vm7 =	vlt.f32 v27, v23;
	vm6 =	vlt.f32 v44, v21  }
0x97: {  	v41 =	vadd.s32 $0x1C0, v41;
	v47 =	vld.idx.msk [tilespmem:v59+s8+$0x0], $0xffff;
	v59 =	vadd.s32 $0x2, v38;
	v42 =	vsel vm6, v57, v42  }
0x98: {  	v27 =	vsel vm7, v59, v38;
	vm8 =	vlt.f32 v43, v24;
	v51 =	vld.idx.msk [tilespmem:v63+s8+$0x0], $0xffff;
	vm9 =	vlt.f32 v53, v22  }
0x99: {  	v44 =	vld.idx.msk [tilespmem:v58+s8+$0x0], $0xffff;
	v57 =	vor.u32 $0x4, v45;
	v58 =	vadd.s32 $0x2, v40;
	v59 =	vor.u32 $0x4, v46  }
0x9a: {  	v38 =	vld.idx.msk [tilespmem:v60+s8+$0x0], $0xffff;
	v53 =	vsel vm15, $0x1, v1;
	v63 =	vor.u32 $0x200, v42;
	vm11 =	vlt.f32 v49, v28  }
0x9b: {  	v50 =	vld.idx.msk [tilespmem:v62+s8+$0x0], $0xffff;
	v36 =	vsel vm8, v61, v36;
	v62 =	vadd.s32 $0x2, v39;
	v45 =	vsel vm11, v57, v45  }
0x9c: {  	v32 =	vld.idx.msk [tilespmem:v32+s10+$0x0], $0xffff;
	v27 =	vadd.s32 $0x240, v27;
	v39 =	vsel vm9, v62, v39;
	v49 =	vadd.s32 $0x381, v45  }
0x9d: {  	v54 =	vor.u32 $0x280, v36;
	v60 =	vld.idx.msk [tilespmem:v41+s8+$0x0], $0xffff;
	vm10 =	vlt.f32 v47, v25;
	vm13 =	vlt.f32 v51, v29  }
0x9e: {  	v61 =	vld.idx.msk [tilespmem:v34+s10+$0x0], $0xffff;
	v37 =	vsel vm10, v56, v37;
	vm14 =	vlt.f32 v44, v18;
	v46 =	vsel vm13, v59, v46  }
0x9f: {  	v18 =	vadd.f32 $0.0e+00, v30;
	v62 =	vsel vm14, $0x1, v1;
	v17 =	vld.idx.msk [tilespmem:v63+s8+$0x0], $0xffff;
	v63 =	vadd.s32 $0x3C1, v46  }
0xa0: {  	v52 =	vld.idx.msk [tilespmem:v48+s10+$0x0], $0xffff;
	vm4 =	vlt.f32 v38, v19;
	vm12 =	vlt.f32 v50, v26;
	v31 =	vadd.s32 v62, v31  }
0xa1: {  	v56 =	vsel vm4, $0x1, v1;
	v18 =	vadd.f32 v32, v18;
	v19 =	vadd.s32 $0x100, v31;
	v55 =	vld.idx.msk [tilespmem:v49+s8+$0x0], $0xffff  }
0xa2: {  	v59 =	vld.idx.msk [tilespmem:v27+s8+$0x0], $0xffff;
	v40 =	vsel vm12, v58, v40;
	v57 =	vadd.s32 v53, v33;
	vm5 =	vlt.f32 v60, v20  }
0xa3: {  	v60 =	vadd.s32 $0x2C0, v39;
	v43 =	vadd.s32 $0x2, v45;
	v18 =	vadd.f32 v61, v18  }
0xa4: {  	v61 =	vor.u32 $0x300, v37;
	vm6 =	vlt.f32 v17, v21;
	v17 =	vadd.s32 v56, v35;
	v62 =	vld.idx.msk [tilespmem:v63+s8+$0x0], $0xffff  }
0xa5: {  	v44 =	vadd.s32 $0x340, v40;
	v58 =	vsel vm5, $0x1, v1;
	v17 =	vadd.s32 $0x180, v17;
	v63 =	vld.idx.msk [tilespmem:v54+s8+$0x0], $0xffff  }
0xa6: {  	v30 =	vadd.s32 v58, v41;
	v18 =	vadd.f32 v52, v18;
	v19 =	vld.idx.msk [tilespmem:v19+s10+$0x0], $0xffff;
	vm7 =	vlt.f32 v55, v28  }
0xa7: {  	vm8 =	vlt.f32 v59, v23;
	v41 =	vsel vm6, $0x1, v1;
	v20 =	vld.idx.msk [tilespmem:v57+s10+$0x0], $0xffff;
	v31 =	vsel vm7, v43, v45  }
0xa8: {  	v48 =	vsel vm8, $0x1, v1;
	v38 =	vadd.s32 v41, v42;
	v45 =	vld.idx.msk [tilespmem:v60+s8+$0x0], $0xffff;
	v47 =	vor.u32 $0x380, v31  }
0xa9: {  	v49 =	vadd.s32 $0x2, v46;
	v38 =	vadd.s32 $0x200, v38;
	v21 =	vld.idx.msk [tilespmem:v61+s8+$0x0], $0xffff;
	vm9 =	vlt.f32 v62, v29  }
0xaa: {  	v50 =	vadd.s32 v48, v27;
	vm10 =	vlt.f32 v63, v24;
	v17 =	vld.idx.msk [tilespmem:v17+s10+$0x0], $0xffff;
	v32 =	vsel vm9, v49, v46  }
0xab: {  	v53 =	vld.idx.msk [tilespmem:v44+s8+$0x0], $0xffff;
	v18 =	vadd.f32 v19, v18;
	v51 =	vsel vm10, $0x1, v1;
	v52 =	vadd.s32 $0x3C0, v32  }
0xac: {  	v19 =	vld.idx.msk [tilespmem:v30+s10+$0x0], $0xffff;
	v27 =	vadd.s32 v51, v36  }
0xad: {  	v18 =	vadd.f32 v20, v18;
	v54 =	vadd.s32 $0x280, v27;
	vm11 =	vlt.f32 v45, v22;
	v55 =	vld.idx.msk [tilespmem:v47+s8+$0x0], $0xffff  }
0xae: {  	vm12 =	vlt.f32 v21, v25;
	v56 =	vld.idx.msk [tilespmem:v38+s10+$0x0], $0xffff;
	v23 =	vsel vm11, $0x1, v1  }
0xaf: {  	v57 =	vld.idx.msk [tilespmem:v50+s10+$0x0], $0xffff;
	v58 =	vsel vm12, $0x1, v1;
	v17 =	vadd.f32 v17, v18;
	v18 =	vadd.s32 v23, v60  }
0xb0: {  	v24 =	vadd.s32 v58, v37;
	v59 =	vld.idx.msk [tilespmem:v52+s8+$0x0], $0xffff  }
0xb1: {  	vm13 =	vlt.f32 v53, v26;
	v17 =	vadd.f32 v19, v17;
	v19 =	vadd.s32 $0x300, v24  }
0xb2: {  	v20 =	vld.idx.msk [tilespmem:v54+s10+$0x0], $0xffff;
	v60 =	vsel vm13, $0x1, v1;
	vm14 =	vlt.f32 v55, v28  }
0xb3: {  	v17 =	vadd.f32 v56, v17;
	v61 =	vadd.s32 v60, v44;
	v22 =	vsel vm14, $0x1, v1  }
0xb4: {  	v18 =	vld.idx.msk [tilespmem:v18+s10+$0x0], $0xffff;
	v22 =	vadd.s32 v22, v31  }
0xb5: {  	v17 =	vadd.f32 v57, v17;
	vm15 =	vlt.f32 v59, v29;
	v22 =	vadd.s32 $0x380, v22  }
0xb6: {  	v19 =	vld.idx.msk [tilespmem:v19+s10+$0x0], $0xffff;
	v62 =	vsel vm15, $0x1, v1  }
0xb7: {  	v17 =	vadd.f32 v20, v17;
	v63 =	vadd.s32 v62, v52  }
0xb8: {  	v21 =	vld.idx.msk [tilespmem:v61+s10+$0x0], $0xffff  }
0xb9: {  	v17 =	vadd.f32 v18, v17  }
0xba: {  	v18 =	vld.idx.msk [tilespmem:v22+s10+$0x0], $0xffff  }
0xbb: {  	v17 =	vadd.f32 v19, v17  }
0xbc: {  	v19 =	vld.idx.msk [tilespmem:v63+s10+$0x0], $0xffff  }
0xbd: {  	v17 =	vadd.f32 v21, v17;
	_ =	sdelay $0x1  }
0xbe: {  	v17 =	vadd.f32 v18, v17  }
0xbf: {  	p0 =	sne.s32 s17, $0x3F0  }
.Ltmp0:
0xc0: {  	v17 =	vadd.f32 v19, v17;
	(pc) =	sbr.rel @p0 .LBB2_2-.Ltmp0, $3  }
0xc1: {  	_ = 	snop  }
0xc2: {  	v17 =	vmul.f32 $6.250000000e-02, v17;
	_ =	sdelay $0x1  }
0xc3: {  	s16 =	sadd.s32 $0x80, s16;
	s17 =	sadd.s32 $0x10, s17;
	[tilespmem:s15+$0x0] =	vst v17;
	s15 =	sadd.s32 $0x10, s15  }
0xc4: {  	s14 =	sadd.s32 $0x1, s14  }
0xc5: {  	p0 =	sne.s32 s14, s7  }
.Ltmp1:
0xc6: {  	_ = 	snop;
	(pc) =	sbr.rel @p0 .LBB2_1-.Ltmp1, $4  }
0xc7: {  	[hbm4b:s6+s3] =	stream.linear.scatter [tilespmem:s13], [sflag:$0x1], $0x400, $0x38;
	[tilespmem:$0x4C00] =	vst v63  }
0xc8: {  	_ =	swait.ge [sflag:s9], $0x400  }
0xc9: {  	[sflag:s9] =	ssyncset.done $0x0  }
0xca: {  	[sflag:s9] =	ssyncadd.s32 $0xFFFFFC00  }
0xcb: {  	_ =	sfence.sel $0x180000  }
0xcc: {  	[bflag:$0x0] =	sbarrier.arrive $0xFFFF  }
0xcd: {  	p0 =	sne.s32 s2, $0x0;
	_ =	strace $0x90000047  }
0xce: {  	s0 =	sadd.s32 @!p0 $0x100000, s0;
	[bflag:$0x2] =	sbarrier.arrive $0xFFFF  }
0xcf: {  	[sflag:s0] =	ssyncadd.tile.s32 @!p0 $0x1;
	_ =	shalt  }
.Lfunc_end2:
_tile_overlayer_lowered:
.L_overlay_start_2:
0xd0: {  	(tag) =	ssettag $0x2  }
0xd1: {  	s0 =	rddreg [dreg:$0x0];
	s2 =	stileid.u32  }
0xd2: {  	s1 =	rddreg [dreg:$0x1];
	p0 =	sne.s32 s2, $0x0  }
0xd3: {  	s3 =	rddreg [dreg:$0x2];
	[bflag:$0x3] =	sbarrier.arrive $0xFFFF;
	s2 =	simm.s32 @!p0 $0x1C01  }
0xd4: {  	[timem:s3], [sflag:s2] =	dma.local @!p0 [hbm:s0], s1  }
0xd5: {  	s0 =	simm.s32 @!p0 $0x1  }
0xd6: {  	_ =	swait.ge @!p0 [sflag:s0], s1  }
0xd7: {  	s1 =	ssub.s32 @!p0 $0x0, s1;
	[sflag:s0] =	ssyncset.done @!p0 $0x0  }
0xd8: {  	[sflag:s0] =	ssyncadd.s32 @!p0 s1  }
0xd9: {  	[bflag:$0x3] =	sbarrier.arrive $0xFFFF  }
0xda: {  	_ =	shalt  }

</sc_bundles>
